<compile_context>
chip_gen: v7x
topology: tpu7x:2x2x1
jax: 0.10.2.dev20260603
libtpu: 0.0.44.dev20260713+nightly
codegen_flags: <defaults>
</compile_context>

<pallas_src>
import functools

import jax
import jax.numpy as jnp
from jax import lax
from jax.experimental import pallas as pl
from jax.experimental.pallas import tpu as pltpu
from jax.experimental.pallas import tpu_sc as plsc

_N = 8388608
_NC = 2
_NS = 16
_NW = _NC * _NS
_L = 16
_C = 16384
_NBUF = 2
_PER_W = _N // _NW
_NCHUNK = _PER_W // _C


_UB = 8


def _sc_body(x_hbm, y_hbm, out_hbm, part_hbm, *refs):
    xb = refs[0:_NBUF]
    yb = refs[_NBUF:2 * _NBUF]
    ob = refs[2 * _NBUF:3 * _NBUF]
    acc_s = refs[3 * _NBUF]
    acc_q = refs[3 * _NBUF + 1]
    sl = refs[3 * _NBUF + 2:3 * _NBUF + 2 + _NBUF]
    ss = refs[3 * _NBUF + 2 + _NBUF:]

    wid = lax.axis_index("s") * _NC + lax.axis_index("c")
    base = wid * _PER_W

    zero = jnp.zeros((_L,), jnp.float32)

    def start_load(g, b):
        off = base + g * _C
        pltpu.make_async_copy(x_hbm.at[pl.ds(off, _C)], xb[b], sl[b]).start()
        pltpu.make_async_copy(y_hbm.at[pl.ds(off, _C)], yb[b], sl[b]).start()

    def wait_load(b):
        pltpu.make_async_copy(x_hbm.at[pl.ds(0, _C)], xb[b], sl[b]).wait()
        pltpu.make_async_copy(y_hbm.at[pl.ds(0, _C)], yb[b], sl[b]).wait()

    def start_store(g, b):
        off = base + g * _C
        pltpu.make_async_copy(ob[b], out_hbm.at[pl.ds(off, _C)], ss[b]).start()

    def wait_store(b):
        pltpu.make_async_copy(ob[b], out_hbm.at[pl.ds(0, _C)], ss[b]).wait()

    def compute(b):
        xr, yr, orr = xb[b], yb[b], ob[b]

        @plsc.parallel_loop(0, _C // (_L * _UB))
        def body(i):
            s0 = zero
            s1 = zero
            q0 = zero
            q1 = zero
            for k in range(0, _UB, 2):
                off = i * (_L * _UB) + k * _L
                xv = xr[pl.ds(off, _L)]
                yv = yr[pl.ds(off, _L)]
                xw = xr[pl.ds(off + _L, _L)]
                yw = yr[pl.ds(off + _L, _L)]
                ov = xv + yv
                ow = xw + yw
                orr[pl.ds(off, _L)] = ov
                orr[pl.ds(off + _L, _L)] = ow
                s0 = s0 + ov
                s1 = s1 + ow
                q0 = q0 + xv * yv
                q1 = q1 + xw * yw
            plsc.addupdate(acc_s.at[pl.ds(0, _L)], s0 + s1)
            plsc.addupdate(acc_q.at[pl.ds(0, _L)], q0 + q1)

    for k in range(_UB):
        acc_s[pl.ds(k * _L, _L)] = zero
        acc_q[pl.ds(k * _L, _L)] = zero

    for b in range(_NBUF):
        start_load(b, b)

    def jbody(j, _):
        for b in range(_NBUF):
            g = _NBUF * j + b
            wait_load(b)

            @pl.when(j >= 1)
            def _():
                wait_store(b)

            compute(b)
            start_store(g, b)

            @pl.when(j < _NCHUNK // _NBUF - 1)
            def _():
                start_load(g + _NBUF, b)
        return 0

    lax.fori_loop(0, _NCHUNK // _NBUF, jbody, 0)
    for b in range(_NBUF):
        wait_store(b)

    pltpu.sync_copy(acc_s, part_hbm.at[wid, pl.ds(0, _UB * _L)])
    pltpu.sync_copy(acc_q, part_hbm.at[wid, pl.ds(_UB * _L, _UB * _L)])


_sc_call = functools.partial(
    pl.kernel,
    out_type=[
        jax.ShapeDtypeStruct((_N,), jnp.float32),
        jax.ShapeDtypeStruct((_NW, 2 * _UB * _L), jnp.float32),
    ],
    mesh=plsc.VectorSubcoreMesh(core_axis_name="c", subcore_axis_name="s"),
    scratch_types=(
        [pltpu.VMEM((_C,), jnp.float32)] * (3 * _NBUF)
        + [pltpu.VMEM((_UB * _L,), jnp.float32)] * 2
        + [pltpu.SemaphoreType.DMA] * (2 * _NBUF)
    ),
)(_sc_body)


@jax.jit
def kernel(x, y):
    out, parts = _sc_call(x, y)
    s_tot = jnp.sum(parts[:, :_UB * _L])
    c2 = jnp.sum(parts[:, _UB * _L:])
    n = jnp.float32(_N)
    c0 = n - s_tot + c2
    denom0 = n - c2
    denom1 = n - c0
    valid0 = denom0 > 0
    valid1 = denom1 > 0
    iou0 = jnp.where(valid0, c0 / jnp.where(valid0, denom0, 1.0), 0.0)
    iou1 = jnp.where(valid1, c2 / jnp.where(valid1, denom1, 1.0), 0.0)
    n_valid = jnp.maximum(
        valid0.astype(jnp.float32) + valid1.astype(jnp.float32), 1.0
    )
    miou = (iou0 + iou1) / n_valid
    return out, miou

# --- scband reference (transcript-rebuilt; emitter-appended) ---
"""Pipeline reference for scband-m-72129680769066 (READ-ONLY COPY).

The authoritative reference and input builder live on the scoring server;
editing this copy changes nothing except your own understanding.
"""

import jax, jax.numpy as jnp
import numpy as np

N = 8388608
NUM_CLASSES = 2


def setup_inputs(seed: int = 0) -> dict:
    key = jax.random.key(seed)
    k1, k2 = jax.random.split(key)
    x = jax.random.randint(k1, (N,), 0, 2).astype(jnp.float32)
    y = jax.random.randint(k2, (N,), 0, 2).astype(jnp.float32)
    return {"x": x, "y": y}


def _mean_iou(x, y, num_classes=NUM_CLASSES):
    # Faithful to tf.keras.metrics.MeanIoU(num_classes=2)(x, y):
    # y_true = x, y_pred = y, both cast to int, confusion matrix, per-class IoU,
    # mean over classes with nonzero union.
    t = jnp.clip(x.astype(jnp.int32), 0, num_classes - 1).reshape(-1)
    p = jnp.clip(y.astype(jnp.int32), 0, num_classes - 1).reshape(-1)
    cm = jnp.bincount(t * num_classes + p, length=num_classes * num_classes)
    cm = cm.reshape(num_classes, num_classes).astype(jnp.float32)
    row = jnp.sum(cm, axis=1)
    col = jnp.sum(cm, axis=0)
    diag = jnp.diagonal(cm)
    denom = row + col - diag
    valid = denom > 0
    iou = jnp.where(valid, diag / jnp.where(valid, denom, 1.0), 0.0)
    n_valid = jnp.maximum(jnp.sum(valid.astype(jnp.float32)), 1.0)
    return jnp.sum(iou) / n_valid


def reference(x, y):
    miou = _mean_iou(x, y)
    out = x + y
    return out, miou

if __name__ == "__main__":
    import jax
    _d = setup_inputs()
    print(jax.jit(kernel)(*tuple(_d.values())))

</pallas_src>

<mosaic_0001>
#map = affine_map<(d0, d1) -> (0)>
#map1 = affine_map<(d0, d1) -> (0, 0)>
module attributes {stable_mosaic.version = 14 : i64} {
  func.func @_sc_body(%arg0: i32, %arg1: i32, %arg2: memref<8388608xf32, #tpu.memory_space<hbm>>, %arg3: memref<8388608xf32, #tpu.memory_space<hbm>>, %arg4: memref<8388608xf32, #tpu.memory_space<hbm>>, %arg5: memref<32x256xf32, #tpu.memory_space<hbm>>, %arg6: memref<16384xf32, #tpu.memory_space<vmem>>, %arg7: memref<16384xf32, #tpu.memory_space<vmem>>, %arg8: memref<16384xf32, #tpu.memory_space<vmem>>, %arg9: memref<16384xf32, #tpu.memory_space<vmem>>, %arg10: memref<16384xf32, #tpu.memory_space<vmem>>, %arg11: memref<16384xf32, #tpu.memory_space<vmem>>, %arg12: memref<128xf32, #tpu.memory_space<vmem>>, %arg13: memref<128xf32, #tpu.memory_space<vmem>>, %arg14: memref<!tpu.dma_semaphore, #tpu.memory_space<semaphore_mem>>, %arg15: memref<!tpu.dma_semaphore, #tpu.memory_space<semaphore_mem>>, %arg16: memref<!tpu.dma_semaphore, #tpu.memory_space<semaphore_mem>>, %arg17: memref<!tpu.dma_semaphore, #tpu.memory_space<semaphore_mem>>) attributes {dimension_semantics = [#tpu.dimension_semantics<core_parallel>, #tpu.dimension_semantics<subcore_parallel>], iteration_bounds = array<i64: 2, 16>, scalar_prefetch = 0 : i64, scratch_operands = 12 : i64, tpu.core_type = #tpu.core_type<sc_vector_subcore>, window_params = [{transform_indices = #map}, {transform_indices = #map}, {transform_indices = #map}, {transform_indices = #map1}]} {
    %mul3A = arith.constant 2 : i32
    %mul3A_0 = arith.muli %arg1, %mul3A : i32
    %add3A = arith.addi %mul3A_0, %arg0 : i32
    %mul3A_1 = arith.constant 262144 : i32
    %mul3A_2 = arith.muli %add3A, %mul3A_1 : i32
    %broadcast_in_dim3A = arith.constant 0.000000e+00 : f32
    %broadcast_in_dim3A_3 = vector.broadcast %broadcast_in_dim3A : f32 to vector<16xf32>
    %swap3A = arith.constant 0 : index
    %swap3A_4 = tpu.vector_load %arg12[%swap3A] {strides = array<i32>} : memref<128xf32, #tpu.memory_space<vmem>>, vector<16xf32>,
    %swap3A_5 = vector.shape_cast %swap3A_4 : vector<16xf32> to vector<16xf32>
    %swap3A_6 = vector.shape_cast %broadcast_in_dim3A_3 : vector<16xf32> to vector<16xf32>
    tpu.vector_store %arg12[%swap3A], %swap3A_6 {strides = array<i32>} : memref<128xf32, #tpu.memory_space<vmem>>, vector<16xf32>,
    %swap3A_7 = arith.constant 0 : index
    %swap3A_8 = tpu.vector_load %arg13[%swap3A_7] {strides = array<i32>} : memref<128xf32, #tpu.memory_space<vmem>>, vector<16xf32>,
    %swap3A_9 = vector.shape_cast %swap3A_8 : vector<16xf32> to vector<16xf32>
    %swap3A_10 = vector.shape_cast %broadcast_in_dim3A_3 : vector<16xf32> to vector<16xf32>
    tpu.vector_store %arg13[%swap3A_7], %swap3A_10 {strides = array<i32>} : memref<128xf32, #tpu.memory_space<vmem>>, vector<16xf32>,
    %swap3A_11 = arith.constant 16 : index
    %swap3A_12 = tpu.vector_load %arg12[%swap3A_11] {strides = array<i32>} : memref<128xf32, #tpu.memory_space<vmem>>, vector<16xf32>,
    %swap3A_13 = vector.shape_cast %swap3A_12 : vector<16xf32> to vector<16xf32>
    %swap3A_14 = vector.shape_cast %broadcast_in_dim3A_3 : vector<16xf32> to vector<16xf32>
    tpu.vector_store %arg12[%swap3A_11], %swap3A_14 {strides = array<i32>} : memref<128xf32, #tpu.memory_space<vmem>>, vector<16xf32>,
    %swap3A_15 = arith.constant 16 : index
    %swap3A_16 = tpu.vector_load %arg13[%swap3A_15] {strides = array<i32>} : memref<128xf32, #tpu.memory_space<vmem>>, vector<16xf32>,
    %swap3A_17 = vector.shape_cast %swap3A_16 : vector<16xf32> to vector<16xf32>
    %swap3A_18 = vector.shape_cast %broadcast_in_dim3A_3 : vector<16xf32> to vector<16xf32>
    tpu.vector_store %arg13[%swap3A_15], %swap3A_18 {strides = array<i32>} : memref<128xf32, #tpu.memory_space<vmem>>, vector<16xf32>,
    %swap3A_19 = arith.constant 32 : index
    %swap3A_20 = tpu.vector_load %arg12[%swap3A_19] {strides = array<i32>} : memref<128xf32, #tpu.memory_space<vmem>>, vector<16xf32>,
    %swap3A_21 = vector.shape_cast %swap3A_20 : vector<16xf32> to vector<16xf32>
    %swap3A_22 = vector.shape_cast %broadcast_in_dim3A_3 : vector<16xf32> to vector<16xf32>
    tpu.vector_store %arg12[%swap3A_19], %swap3A_22 {strides = array<i32>} : memref<128xf32, #tpu.memory_space<vmem>>, vector<16xf32>,
    %swap3A_23 = arith.constant 32 : index
    %swap3A_24 = tpu.vector_load %arg13[%swap3A_23] {strides = array<i32>} : memref<128xf32, #tpu.memory_space<vmem>>, vector<16xf32>,
    %swap3A_25 = vector.shape_cast %swap3A_24 : vector<16xf32> to vector<16xf32>
    %swap3A_26 = vector.shape_cast %broadcast_in_dim3A_3 : vector<16xf32> to vector<16xf32>
    tpu.vector_store %arg13[%swap3A_23], %swap3A_26 {strides = array<i32>} : memref<128xf32, #tpu.memory_space<vmem>>, vector<16xf32>,
    %swap3A_27 = arith.constant 48 : index
    %swap3A_28 = tpu.vector_load %arg12[%swap3A_27] {strides = array<i32>} : memref<128xf32, #tpu.memory_space<vmem>>, vector<16xf32>,
    %swap3A_29 = vector.shape_cast %swap3A_28 : vector<16xf32> to vector<16xf32>
    %swap3A_30 = vector.shape_cast %broadcast_in_dim3A_3 : vector<16xf32> to vector<16xf32>
    tpu.vector_store %arg12[%swap3A_27], %swap3A_30 {strides = array<i32>} : memref<128xf32, #tpu.memory_space<vmem>>, vector<16xf32>,
    %swap3A_31 = arith.constant 48 : index
    %swap3A_32 = tpu.vector_load %arg13[%swap3A_31] {strides = array<i32>} : memref<128xf32, #tpu.memory_space<vmem>>, vector<16xf32>,
    %swap3A_33 = vector.shape_cast %swap3A_32 : vector<16xf32> to vector<16xf32>
    %swap3A_34 = vector.shape_cast %broadcast_in_dim3A_3 : vector<16xf32> to vector<16xf32>
    tpu.vector_store %arg13[%swap3A_31], %swap3A_34 {strides = array<i32>} : memref<128xf32, #tpu.memory_space<vmem>>, vector<16xf32>,
    %swap3A_35 = arith.constant 64 : index
    %swap3A_36 = tpu.vector_load %arg12[%swap3A_35] {strides = array<i32>} : memref<128xf32, #tpu.memory_space<vmem>>, vector<16xf32>,
    %swap3A_37 = vector.shape_cast %swap3A_36 : vector<16xf32> to vector<16xf32>
    %swap3A_38 = vector.shape_cast %broadcast_in_dim3A_3 : vector<16xf32> to vector<16xf32>
    tpu.vector_store %arg12[%swap3A_35], %swap3A_38 {strides = array<i32>} : memref<128xf32, #tpu.memory_space<vmem>>, vector<16xf32>,
    %swap3A_39 = arith.constant 64 : index
    %swap3A_40 = tpu.vector_load %arg13[%swap3A_39] {strides = array<i32>} : memref<128xf32, #tpu.memory_space<vmem>>, vector<16xf32>,
    %swap3A_41 = vector.shape_cast %swap3A_40 : vector<16xf32> to vector<16xf32>
    %swap3A_42 = vector.shape_cast %broadcast_in_dim3A_3 : vector<16xf32> to vector<16xf32>
    tpu.vector_store %arg13[%swap3A_39], %swap3A_42 {strides = array<i32>} : memref<128xf32, #tpu.memory_space<vmem>>, vector<16xf32>,
    %swap3A_43 = arith.constant 80 : index
    %swap3A_44 = tpu.vector_load %arg12[%swap3A_43] {strides = array<i32>} : memref<128xf32, #tpu.memory_space<vmem>>, vector<16xf32>,
    %swap3A_45 = vector.shape_cast %swap3A_44 : vector<16xf32> to vector<16xf32>
    %swap3A_46 = vector.shape_cast %broadcast_in_dim3A_3 : vector<16xf32> to vector<16xf32>
    tpu.vector_store %arg12[%swap3A_43], %swap3A_46 {strides = array<i32>} : memref<128xf32, #tpu.memory_space<vmem>>, vector<16xf32>,
    %swap3A_47 = arith.constant 80 : index
    %swap3A_48 = tpu.vector_load %arg13[%swap3A_47] {strides = array<i32>} : memref<128xf32, #tpu.memory_space<vmem>>, vector<16xf32>,
    %swap3A_49 = vector.shape_cast %swap3A_48 : vector<16xf32> to vector<16xf32>
    %swap3A_50 = vector.shape_cast %broadcast_in_dim3A_3 : vector<16xf32> to vector<16xf32>
    tpu.vector_store %arg13[%swap3A_47], %swap3A_50 {strides = array<i32>} : memref<128xf32, #tpu.memory_space<vmem>>, vector<16xf32>,
    %swap3A_51 = arith.constant 96 : index
    %swap3A_52 = tpu.vector_load %arg12[%swap3A_51] {strides = array<i32>} : memref<128xf32, #tpu.memory_space<vmem>>, vector<16xf32>,
    %swap3A_53 = vector.shape_cast %swap3A_52 : vector<16xf32> to vector<16xf32>
    %swap3A_54 = vector.shape_cast %broadcast_in_dim3A_3 : vector<16xf32> to vector<16xf32>
    tpu.vector_store %arg12[%swap3A_51], %swap3A_54 {strides = array<i32>} : memref<128xf32, #tpu.memory_space<vmem>>, vector<16xf32>,
    %swap3A_55 = arith.constant 96 : index
    %swap3A_56 = tpu.vector_load %arg13[%swap3A_55] {strides = array<i32>} : memref<128xf32, #tpu.memory_space<vmem>>, vector<16xf32>,
    %swap3A_57 = vector.shape_cast %swap3A_56 : vector<16xf32> to vector<16xf32>
    %swap3A_58 = vector.shape_cast %broadcast_in_dim3A_3 : vector<16xf32> to vector<16xf32>
    tpu.vector_store %arg13[%swap3A_55], %swap3A_58 {strides = array<i32>} : memref<128xf32, #tpu.memory_space<vmem>>, vector<16xf32>,
    %swap3A_59 = arith.constant 112 : index
    %swap3A_60 = tpu.vector_load %arg12[%swap3A_59] {strides = array<i32>} : memref<128xf32, #tpu.memory_space<vmem>>, vector<16xf32>,
    %swap3A_61 = vector.shape_cast %swap3A_60 : vector<16xf32> to vector<16xf32>
    %swap3A_62 = vector.shape_cast %broadcast_in_dim3A_3 : vector<16xf32> to vector<16xf32>
    tpu.vector_store %arg12[%swap3A_59], %swap3A_62 {strides = array<i32>} : memref<128xf32, #tpu.memory_space<vmem>>, vector<16xf32>,
    %swap3A_63 = arith.constant 112 : index
    %swap3A_64 = tpu.vector_load %arg13[%swap3A_63] {strides = array<i32>} : memref<128xf32, #tpu.memory_space<vmem>>, vector<16xf32>,
    %swap3A_65 = vector.shape_cast %swap3A_64 : vector<16xf32> to vector<16xf32>
    %swap3A_66 = vector.shape_cast %broadcast_in_dim3A_3 : vector<16xf32> to vector<16xf32>
    tpu.vector_store %arg13[%swap3A_63], %swap3A_66 {strides = array<i32>} : memref<128xf32, #tpu.memory_space<vmem>>, vector<16xf32>,
    %add3A_67 = arith.constant 0 : i32
    %add3A_68 = arith.addi %mul3A_2, %add3A_67 : i32
    %dma_start3A = tpu.memref_slice %arg2[%add3A_68] : memref<8388608xf32, #tpu.memory_space<hbm>> -> memref<16384xf32, #tpu.memory_space<hbm>>
    %dma_start3A_69 = tpu.memref_slice %arg2[%add3A_68] : memref<8388608xf32, #tpu.memory_space<hbm>> -> memref<16384xf32, #tpu.memory_space<hbm>>
    tpu.enqueue_dma source(%dma_start3A_69 : memref<16384xf32, #tpu.memory_space<hbm>>) target(%arg6 : memref<16384xf32, #tpu.memory_space<vmem>>) target_semaphore(%arg14 : memref<!tpu.dma_semaphore, #tpu.memory_space<semaphore_mem>>)
    %dma_start3A_70 = tpu.memref_slice %arg3[%add3A_68] : memref<8388608xf32, #tpu.memory_space<hbm>> -> memref<16384xf32, #tpu.memory_space<hbm>>
    %dma_start3A_71 = tpu.memref_slice %arg3[%add3A_68] : memref<8388608xf32, #tpu.memory_space<hbm>> -> memref<16384xf32, #tpu.memory_space<hbm>>
    tpu.enqueue_dma source(%dma_start3A_71 : memref<16384xf32, #tpu.memory_space<hbm>>) target(%arg8 : memref<16384xf32, #tpu.memory_space<vmem>>) target_semaphore(%arg14 : memref<!tpu.dma_semaphore, #tpu.memory_space<semaphore_mem>>)
    %add3A_72 = arith.constant 16384 : i32
    %add3A_73 = arith.addi %mul3A_2, %add3A_72 : i32
    %dma_start3A_74 = tpu.memref_slice %arg2[%add3A_73] : memref<8388608xf32, #tpu.memory_space<hbm>> -> memref<16384xf32, #tpu.memory_space<hbm>>
    %dma_start3A_75 = tpu.memref_slice %arg2[%add3A_73] : memref<8388608xf32, #tpu.memory_space<hbm>> -> memref<16384xf32, #tpu.memory_space<hbm>>
    tpu.enqueue_dma source(%dma_start3A_75 : memref<16384xf32, #tpu.memory_space<hbm>>) target(%arg7 : memref<16384xf32, #tpu.memory_space<vmem>>) target_semaphore(%arg15 : memref<!tpu.dma_semaphore, #tpu.memory_space<semaphore_mem>>)
    %dma_start3A_76 = tpu.memref_slice %arg3[%add3A_73] : memref<8388608xf32, #tpu.memory_space<hbm>> -> memref<16384xf32, #tpu.memory_space<hbm>>
    %dma_start3A_77 = tpu.memref_slice %arg3[%add3A_73] : memref<8388608xf32, #tpu.memory_space<hbm>> -> memref<16384xf32, #tpu.memory_space<hbm>>
    tpu.enqueue_dma source(%dma_start3A_77 : memref<16384xf32, #tpu.memory_space<hbm>>) target(%arg9 : memref<16384xf32, #tpu.memory_space<vmem>>) target_semaphore(%arg15 : memref<!tpu.dma_semaphore, #tpu.memory_space<semaphore_mem>>)
    %scan3A = arith.constant 0 : i32
    %scan3A_78 = arith.constant 0 : i32
    %scan3A_79 = arith.constant 8 : i32
    %scan3A_80 = arith.addi %scan3A_78, %scan3A_79 : i32
    %scan3A_81 = arith.constant 1 : i32
    %scan3A_82 = scf.for %scan3A_91 = %scan3A_78 to %scan3A_80 step %scan3A_81 iter_args(%scan3A_92 = %scan3A) -> (i32)  : i32 {
      %mul3A_93 = arith.constant 2 : i32
      %mul3A_94 = arith.muli %mul3A_93, %scan3A_91 : i32
      %add3A_95 = arith.constant 0 : i32
      %add3A_96 = arith.addi %mul3A_94, %add3A_95 : i32
      %dma_wait3A_97 = arith.constant 0 : i32
      %dma_wait3A_98 = tpu.memref_slice %arg2[%dma_wait3A_97] : memref<8388608xf32, #tpu.memory_space<hbm>> -> memref<16384xf32, #tpu.memory_space<hbm>>
      %dma_wait3A_99 = arith.constant 0 : i32
      %dma_wait3A_100 = tpu.memref_slice %arg2[%dma_wait3A_99] : memref<8388608xf32, #tpu.memory_space<hbm>> -> memref<16384xf32, #tpu.memory_space<hbm>>
      tpu.wait_dma2 semaphore(%arg14 : memref<!tpu.dma_semaphore, #tpu.memory_space<semaphore_mem>>) src(%dma_wait3A_100 : memref<16384xf32, #tpu.memory_space<hbm>>) dst(%arg6 : memref<16384xf32, #tpu.memory_space<vmem>>)
      %dma_wait3A_101 = arith.constant 0 : i32
      %dma_wait3A_102 = tpu.memref_slice %arg3[%dma_wait3A_101] : memref<8388608xf32, #tpu.memory_space<hbm>> -> memref<16384xf32, #tpu.memory_space<hbm>>
      %dma_wait3A_103 = arith.constant 0 : i32
      %dma_wait3A_104 = tpu.memref_slice %arg3[%dma_wait3A_103] : memref<8388608xf32, #tpu.memory_space<hbm>> -> memref<16384xf32, #tpu.memory_space<hbm>>
      tpu.wait_dma2 semaphore(%arg14 : memref<!tpu.dma_semaphore, #tpu.memory_space<semaphore_mem>>) src(%dma_wait3A_104 : memref<16384xf32, #tpu.memory_space<hbm>>) dst(%arg8 : memref<16384xf32, #tpu.memory_space<vmem>>)
      %ge3A = arith.constant 1 : i32
      %ge3A_105 = arith.cmpi sge, %scan3A_91, %ge3A : i32
      %convert_element_type3A = arith.extui %ge3A_105 : i1 to i32
      %cond3A = arith.constant 0 : i32
      %cond3A_106 = arith.cmpi ne, %convert_element_type3A, %cond3A : i32
      scf.if %cond3A_106 {
        %dma_wait3A_149 = arith.constant 0 : i32
        %dma_wait3A_150 = tpu.memref_slice %arg4[%dma_wait3A_149] : memref<8388608xf32, #tpu.memory_space<hbm>> -> memref<16384xf32, #tpu.memory_space<hbm>>
        %dma_wait3A_151 = arith.constant 0 : i32
        %dma_wait3A_152 = tpu.memref_slice %arg4[%dma_wait3A_151] : memref<8388608xf32, #tpu.memory_space<hbm>> -> memref<16384xf32, #tpu.memory_space<hbm>>
        tpu.wait_dma2 semaphore(%arg16 : memref<!tpu.dma_semaphore, #tpu.memory_space<semaphore_mem>>) src(%arg10 : memref<16384xf32, #tpu.memory_space<vmem>>) dst(%dma_wait3A_152 : memref<16384xf32, #tpu.memory_space<hbm>>)
      } else {
      }
      %parallel_loop3A = arith.constant 0 : i32
      %parallel_loop3A_107 = arith.constant 128 : i32
      %parallel_loop3A_108 = arith.constant 1 : i32
      scf.for %parallel_loop3A_149 = %parallel_loop3A to %parallel_loop3A_107 step %parallel_loop3A_108  : i32 {
        %parallel_loop3A_150 = arith.constant 128 : i32
        %parallel_loop3A_151 = arith.muli %parallel_loop3A_149, %parallel_loop3A_150 : i32
        %parallel_loop3A_152 = arith.constant 0 : i32
        %parallel_loop3A_153 = arith.addi %parallel_loop3A_151, %parallel_loop3A_152 : i32
        %parallel_loop3A_154 = arith.index_cast %parallel_loop3A_153 : i32 to index
        %parallel_loop3A_155 = tpu.vector_load %arg6[%parallel_loop3A_154] {strides = array<i32>} : memref<16384xf32, #tpu.memory_space<vmem>>, vector<16xf32>,
        %parallel_loop3A_156 = vector.shape_cast %parallel_loop3A_155 : vector<16xf32> to vector<16xf32>
        %parallel_loop3A_157 = arith.index_cast %parallel_loop3A_153 : i32 to index
        %parallel_loop3A_158 = tpu.vector_load %arg8[%parallel_loop3A_157] {strides = array<i32>} : memref<16384xf32, #tpu.memory_space<vmem>>, vector<16xf32>,
        %parallel_loop3A_159 = vector.shape_cast %parallel_loop3A_158 : vector<16xf32> to vector<16xf32>
        %parallel_loop3A_160 = arith.constant 16 : i32
        %parallel_loop3A_161 = arith.addi %parallel_loop3A_153, %parallel_loop3A_160 : i32
        %parallel_loop3A_162 = arith.index_cast %parallel_loop3A_161 : i32 to index
        %parallel_loop3A_163 = tpu.vector_load %arg6[%parallel_loop3A_162] {strides = array<i32>} : memref<16384xf32, #tpu.memory_space<vmem>>, vector<16xf32>,
        %parallel_loop3A_164 = vector.shape_cast %parallel_loop3A_163 : vector<16xf32> to vector<16xf32>
        %parallel_loop3A_165 = arith.constant 16 : i32
        %parallel_loop3A_166 = arith.addi %parallel_loop3A_153, %parallel_loop3A_165 : i32
        %parallel_loop3A_167 = arith.index_cast %parallel_loop3A_166 : i32 to index
        %parallel_loop3A_168 = tpu.vector_load %arg8[%parallel_loop3A_167] {strides = array<i32>} : memref<16384xf32, #tpu.memory_space<vmem>>, vector<16xf32>,
        %parallel_loop3A_169 = vector.shape_cast %parallel_loop3A_168 : vector<16xf32> to vector<16xf32>
        %parallel_loop3A_170 = arith.addf %parallel_loop3A_156, %parallel_loop3A_159 : vector<16xf32>
        %parallel_loop3A_171 = arith.addf %parallel_loop3A_164, %parallel_loop3A_169 : vector<16xf32>
        %parallel_loop3A_172 = arith.index_cast %parallel_loop3A_153 : i32 to index
        %parallel_loop3A_173 = tpu.vector_load %arg10[%parallel_loop3A_172] {strides = array<i32>} : memref<16384xf32, #tpu.memory_space<vmem>>, vector<16xf32>,
        %parallel_loop3A_174 = vector.shape_cast %parallel_loop3A_173 : vector<16xf32> to vector<16xf32>
        %parallel_loop3A_175 = vector.shape_cast %parallel_loop3A_170 : vector<16xf32> to vector<16xf32>
        tpu.vector_store %arg10[%parallel_loop3A_172], %parallel_loop3A_175 {strides = array<i32>} : memref<16384xf32, #tpu.memory_space<vmem>>, vector<16xf32>,
        %parallel_loop3A_176 = arith.constant 16 : i32
        %parallel_loop3A_177 = arith.addi %parallel_loop3A_153, %parallel_loop3A_176 : i32
        %parallel_loop3A_178 = arith.index_cast %parallel_loop3A_177 : i32 to index
        %parallel_loop3A_179 = tpu.vector_load %arg10[%parallel_loop3A_178] {strides = array<i32>} : memref<16384xf32, #tpu.memory_space<vmem>>, vector<16xf32>,
        %parallel_loop3A_180 = vector.shape_cast %parallel_loop3A_179 : vector<16xf32> to vector<16xf32>
        %parallel_loop3A_181 = vector.shape_cast %parallel_loop3A_171 : vector<16xf32> to vector<16xf32>
        tpu.vector_store %arg10[%parallel_loop3A_178], %parallel_loop3A_181 {strides = array<i32>} : memref<16384xf32, #tpu.memory_space<vmem>>, vector<16xf32>,
        %parallel_loop3A_182 = arith.addf %broadcast_in_dim3A_3, %parallel_loop3A_170 : vector<16xf32>
        %parallel_loop3A_183 = arith.addf %broadcast_in_dim3A_3, %parallel_loop3A_171 : vector<16xf32>
        %parallel_loop3A_184 = arith.mulf %parallel_loop3A_156, %parallel_loop3A_159 : vector<16xf32>
        %parallel_loop3A_185 = arith.addf %broadcast_in_dim3A_3, %parallel_loop3A_184 : vector<16xf32>
        %parallel_loop3A_186 = arith.mulf %parallel_loop3A_164, %parallel_loop3A_169 : vector<16xf32>
        %parallel_loop3A_187 = arith.addf %broadcast_in_dim3A_3, %parallel_loop3A_186 : vector<16xf32>
        %parallel_loop3A_188 = arith.constant 128 : i32
        %parallel_loop3A_189 = arith.muli %parallel_loop3A_149, %parallel_loop3A_188 : i32
        %parallel_loop3A_190 = arith.constant 32 : i32
        %parallel_loop3A_191 = arith.addi %parallel_loop3A_189, %parallel_loop3A_190 : i32
        %parallel_loop3A_192 = arith.index_cast %parallel_loop3A_191 : i32 to index
        %parallel_loop3A_193 = tpu.vector_load %arg6[%parallel_loop3A_192] {strides = array<i32>} : memref<16384xf32, #tpu.memory_space<vmem>>, vector<16xf32>,
        %parallel_loop3A_194 = vector.shape_cast %parallel_loop3A_193 : vector<16xf32> to vector<16xf32>
        %parallel_loop3A_195 = arith.index_cast %parallel_loop3A_191 : i32 to index
        %parallel_loop3A_196 = tpu.vector_load %arg8[%parallel_loop3A_195] {strides = array<i32>} : memref<16384xf32, #tpu.memory_space<vmem>>, vector<16xf32>,
        %parallel_loop3A_197 = vector.shape_cast %parallel_loop3A_196 : vector<16xf32> to vector<16xf32>
        %parallel_loop3A_198 = arith.constant 16 : i32
        %parallel_loop3A_199 = arith.addi %parallel_loop3A_191, %parallel_loop3A_198 : i32
        %parallel_loop3A_200 = arith.index_cast %parallel_loop3A_199 : i32 to index
        %parallel_loop3A_201 = tpu.vector_load %arg6[%parallel_loop3A_200] {strides = array<i32>} : memref<16384xf32, #tpu.memory_space<vmem>>, vector<16xf32>,
        %parallel_loop3A_202 = vector.shape_cast %parallel_loop3A_201 : vector<16xf32> to vector<16xf32>
        %parallel_loop3A_203 = arith.constant 16 : i32
        %parallel_loop3A_204 = arith.addi %parallel_loop3A_191, %parallel_loop3A_203 : i32
        %parallel_loop3A_205 = arith.index_cast %parallel_loop3A_204 : i32 to index
        %parallel_loop3A_206 = tpu.vector_load %arg8[%parallel_loop3A_205] {strides = array<i32>} : memref<16384xf32, #tpu.memory_space<vmem>>, vector<16xf32>,
        %parallel_loop3A_207 = vector.shape_cast %parallel_loop3A_206 : vector<16xf32> to vector<16xf32>
        %parallel_loop3A_208 = arith.addf %parallel_loop3A_194, %parallel_loop3A_197 : vector<16xf32>
        %parallel_loop3A_209 = arith.addf %parallel_loop3A_202, %parallel_loop3A_207 : vector<16xf32>
        %parallel_loop3A_210 = arith.index_cast %parallel_loop3A_191 : i32 to index
        %parallel_loop3A_211 = tpu.vector_load %arg10[%parallel_loop3A_210] {strides = array<i32>} : memref<16384xf32, #tpu.memory_space<vmem>>, vector<16xf32>,
        %parallel_loop3A_212 = vector.shape_cast %parallel_loop3A_211 : vector<16xf32> to vector<16xf32>
        %parallel_loop3A_213 = vector.shape_cast %parallel_loop3A_208 : vector<16xf32> to vector<16xf32>
        tpu.vector_store %arg10[%parallel_loop3A_210], %parallel_loop3A_213 {strides = array<i32>} : memref<16384xf32, #tpu.memory_space<vmem>>, vector<16xf32>,
        %parallel_loop3A_214 = arith.constant 16 : i32
        %parallel_loop3A_215 = arith.addi %parallel_loop3A_191, %parallel_loop3A_214 : i32
        %parallel_loop3A_216 = arith.index_cast %parallel_loop3A_215 : i32 to index
        %parallel_loop3A_217 = tpu.vector_load %arg10[%parallel_loop3A_216] {strides = array<i32>} : memref<16384xf32, #tpu.memory_space<vmem>>, vector<16xf32>,
        %parallel_loop3A_218 = vector.shape_cast %parallel_loop3A_217 : vector<16xf32> to vector<16xf32>
        %parallel_loop3A_219 = vector.shape_cast %parallel_loop3A_209 : vector<16xf32> to vector<16xf32>
        tpu.vector_store %arg10[%parallel_loop3A_216], %parallel_loop3A_219 {strides = array<i32>} : memref<16384xf32, #tpu.memory_space<vmem>>, vector<16xf32>,
        %parallel_loop3A_220 = arith.addf %parallel_loop3A_182, %parallel_loop3A_208 : vector<16xf32>
        %parallel_loop3A_221 = arith.addf %parallel_loop3A_183, %parallel_loop3A_209 : vector<16xf32>
        %parallel_loop3A_222 = arith.mulf %parallel_loop3A_194, %parallel_loop3A_197 : vector<16xf32>
        %parallel_loop3A_223 = arith.addf %parallel_loop3A_185, %parallel_loop3A_222 : vector<16xf32>
        %parallel_loop3A_224 = arith.mulf %parallel_loop3A_202, %parallel_loop3A_207 : vector<16xf32>
        %parallel_loop3A_225 = arith.addf %parallel_loop3A_187, %parallel_loop3A_224 : vector<16xf32>
        %parallel_loop3A_226 = arith.constant 128 : i32
        %parallel_loop3A_227 = arith.muli %parallel_loop3A_149, %parallel_loop3A_226 : i32
        %parallel_loop3A_228 = arith.constant 64 : i32
        %parallel_loop3A_229 = arith.addi %parallel_loop3A_227, %parallel_loop3A_228 : i32
        %parallel_loop3A_230 = arith.index_cast %parallel_loop3A_229 : i32 to index
        %parallel_loop3A_231 = tpu.vector_load %arg6[%parallel_loop3A_230] {strides = array<i32>} : memref<16384xf32, #tpu.memory_space<vmem>>, vector<16xf32>,
        %parallel_loop3A_232 = vector.shape_cast %parallel_loop3A_231 : vector<16xf32> to vector<16xf32>
        %parallel_loop3A_233 = arith.index_cast %parallel_loop3A_229 : i32 to index
        %parallel_loop3A_234 = tpu.vector_load %arg8[%parallel_loop3A_233] {strides = array<i32>} : memref<16384xf32, #tpu.memory_space<vmem>>, vector<16xf32>,
        %parallel_loop3A_235 = vector.shape_cast %parallel_loop3A_234 : vector<16xf32> to vector<16xf32>
        %parallel_loop3A_236 = arith.constant 16 : i32
        %parallel_loop3A_237 = arith.addi %parallel_loop3A_229, %parallel_loop3A_236 : i32
        %parallel_loop3A_238 = arith.index_cast %parallel_loop3A_237 : i32 to index
        %parallel_loop3A_239 = tpu.vector_load %arg6[%parallel_loop3A_238] {strides = array<i32>} : memref<16384xf32, #tpu.memory_space<vmem>>, vector<16xf32>,
        %parallel_loop3A_240 = vector.shape_cast %parallel_loop3A_239 : vector<16xf32> to vector<16xf32>
        %parallel_loop3A_241 = arith.constant 16 : i32
        %parallel_loop3A_242 = arith.addi %parallel_loop3A_229, %parallel_loop3A_241 : i32
        %parallel_loop3A_243 = arith.index_cast %parallel_loop3A_242 : i32 to index
        %parallel_loop3A_244 = tpu.vector_load %arg8[%parallel_loop3A_243] {strides = array<i32>} : memref<16384xf32, #tpu.memory_space<vmem>>, vector<16xf32>,
        %parallel_loop3A_245 = vector.shape_cast %parallel_loop3A_244 : vector<16xf32> to vector<16xf32>
        %parallel_loop3A_246 = arith.addf %parallel_loop3A_232, %parallel_loop3A_235 : vector<16xf32>
        %parallel_loop3A_247 = arith.addf %parallel_loop3A_240, %parallel_loop3A_245 : vector<16xf32>
        %parallel_loop3A_248 = arith.index_cast %parallel_loop3A_229 : i32 to index
        %parallel_loop3A_249 = tpu.vector_load %arg10[%parallel_loop3A_248] {strides = array<i32>} : memref<16384xf32, #tpu.memory_space<vmem>>, vector<16xf32>,
        %parallel_loop3A_250 = vector.shape_cast %parallel_loop3A_249 : vector<16xf32> to vector<16xf32>
        %parallel_loop3A_251 = vector.shape_cast %parallel_loop3A_246 : vector<16xf32> to vector<16xf32>
        tpu.vector_store %arg10[%parallel_loop3A_248], %parallel_loop3A_251 {strides = array<i32>} : memref<16384xf32, #tpu.memory_space<vmem>>, vector<16xf32>,
        %parallel_loop3A_252 = arith.constant 16 : i32
        %parallel_loop3A_253 = arith.addi %parallel_loop3A_229, %parallel_loop3A_252 : i32
        %parallel_loop3A_254 = arith.index_cast %parallel_loop3A_253 : i32 to index
        %parallel_loop3A_255 = tpu.vector_load %arg10[%parallel_loop3A_254] {strides = array<i32>} : memref<16384xf32, #tpu.memory_space<vmem>>, vector<16xf32>,
        %parallel_loop3A_256 = vector.shape_cast %parallel_loop3A_255 : vector<16xf32> to vector<16xf32>
        %parallel_loop3A_257 = vector.shape_cast %parallel_loop3A_247 : vector<16xf32> to vector<16xf32>
        tpu.vector_store %arg10[%parallel_loop3A_254], %parallel_loop3A_257 {strides = array<i32>} : memref<16384xf32, #tpu.memory_space<vmem>>, vector<16xf32>,
        %parallel_loop3A_258 = arith.addf %parallel_loop3A_220, %parallel_loop3A_246 : vector<16xf32>
        %parallel_loop3A_259 = arith.addf %parallel_loop3A_221, %parallel_loop3A_247 : vector<16xf32>
        %parallel_loop3A_260 = arith.mulf %parallel_loop3A_232, %parallel_loop3A_235 : vector<16xf32>
        %parallel_loop3A_261 = arith.addf %parallel_loop3A_223, %parallel_loop3A_260 : vector<16xf32>
        %parallel_loop3A_262 = arith.mulf %parallel_loop3A_240, %parallel_loop3A_245 : vector<16xf32>
        %parallel_loop3A_263 = arith.addf %parallel_loop3A_225, %parallel_loop3A_262 : vector<16xf32>
        %parallel_loop3A_264 = arith.constant 128 : i32
        %parallel_loop3A_265 = arith.muli %parallel_loop3A_149, %parallel_loop3A_264 : i32
        %parallel_loop3A_266 = arith.constant 96 : i32
        %parallel_loop3A_267 = arith.addi %parallel_loop3A_265, %parallel_loop3A_266 : i32
        %parallel_loop3A_268 = arith.index_cast %parallel_loop3A_267 : i32 to index
        %parallel_loop3A_269 = tpu.vector_load %arg6[%parallel_loop3A_268] {strides = array<i32>} : memref<16384xf32, #tpu.memory_space<vmem>>, vector<16xf32>,
        %parallel_loop3A_270 = vector.shape_cast %parallel_loop3A_269 : vector<16xf32> to vector<16xf32>
        %parallel_loop3A_271 = arith.index_cast %parallel_loop3A_267 : i32 to index
        %parallel_loop3A_272 = tpu.vector_load %arg8[%parallel_loop3A_271] {strides = array<i32>} : memref<16384xf32, #tpu.memory_space<vmem>>, vector<16xf32>,
        %parallel_loop3A_273 = vector.shape_cast %parallel_loop3A_272 : vector<16xf32> to vector<16xf32>
        %parallel_loop3A_274 = arith.constant 16 : i32
        %parallel_loop3A_275 = arith.addi %parallel_loop3A_267, %parallel_loop3A_274 : i32
        %parallel_loop3A_276 = arith.index_cast %parallel_loop3A_275 : i32 to index
        %parallel_loop3A_277 = tpu.vector_load %arg6[%parallel_loop3A_276] {strides = array<i32>} : memref<16384xf32, #tpu.memory_space<vmem>>, vector<16xf32>,
        %parallel_loop3A_278 = vector.shape_cast %parallel_loop3A_277 : vector<16xf32> to vector<16xf32>
        %parallel_loop3A_279 = arith.constant 16 : i32
        %parallel_loop3A_280 = arith.addi %parallel_loop3A_267, %parallel_loop3A_279 : i32
        %parallel_loop3A_281 = arith.index_cast %parallel_loop3A_280 : i32 to index
        %parallel_loop3A_282 = tpu.vector_load %arg8[%parallel_loop3A_281] {strides = array<i32>} : memref<16384xf32, #tpu.memory_space<vmem>>, vector<16xf32>,
        %parallel_loop3A_283 = vector.shape_cast %parallel_loop3A_282 : vector<16xf32> to vector<16xf32>
        %parallel_loop3A_284 = arith.addf %parallel_loop3A_270, %parallel_loop3A_273 : vector<16xf32>
        %parallel_loop3A_285 = arith.addf %parallel_loop3A_278, %parallel_loop3A_283 : vector<16xf32>
        %parallel_loop3A_286 = arith.index_cast %parallel_loop3A_267 : i32 to index
        %parallel_loop3A_287 = tpu.vector_load %arg10[%parallel_loop3A_286] {strides = array<i32>} : memref<16384xf32, #tpu.memory_space<vmem>>, vector<16xf32>,
        %parallel_loop3A_288 = vector.shape_cast %parallel_loop3A_287 : vector<16xf32> to vector<16xf32>
        %parallel_loop3A_289 = vector.shape_cast %parallel_loop3A_284 : vector<16xf32> to vector<16xf32>
        tpu.vector_store %arg10[%parallel_loop3A_286], %parallel_loop3A_289 {strides = array<i32>} : memref<16384xf32, #tpu.memory_space<vmem>>, vector<16xf32>,
        %parallel_loop3A_290 = arith.constant 16 : i32
        %parallel_loop3A_291 = arith.addi %parallel_loop3A_267, %parallel_loop3A_290 : i32
        %parallel_loop3A_292 = arith.index_cast %parallel_loop3A_291 : i32 to index
        %parallel_loop3A_293 = tpu.vector_load %arg10[%parallel_loop3A_292] {strides = array<i32>} : memref<16384xf32, #tpu.memory_space<vmem>>, vector<16xf32>,
        %parallel_loop3A_294 = vector.shape_cast %parallel_loop3A_293 : vector<16xf32> to vector<16xf32>
        %parallel_loop3A_295 = vector.shape_cast %parallel_loop3A_285 : vector<16xf32> to vector<16xf32>
        tpu.vector_store %arg10[%parallel_loop3A_292], %parallel_loop3A_295 {strides = array<i32>} : memref<16384xf32, #tpu.memory_space<vmem>>, vector<16xf32>,
        %parallel_loop3A_296 = arith.addf %parallel_loop3A_258, %parallel_loop3A_284 : vector<16xf32>
        %parallel_loop3A_297 = arith.addf %parallel_loop3A_259, %parallel_loop3A_285 : vector<16xf32>
        %parallel_loop3A_298 = arith.mulf %parallel_loop3A_270, %parallel_loop3A_273 : vector<16xf32>
        %parallel_loop3A_299 = arith.addf %parallel_loop3A_261, %parallel_loop3A_298 : vector<16xf32>
        %parallel_loop3A_300 = arith.mulf %parallel_loop3A_278, %parallel_loop3A_283 : vector<16xf32>
        %parallel_loop3A_301 = arith.addf %parallel_loop3A_263, %parallel_loop3A_300 : vector<16xf32>
        %parallel_loop3A_302 = arith.addf %parallel_loop3A_296, %parallel_loop3A_297 : vector<16xf32>
        %parallel_loop3A_303 = arith.constant 0 : index
        %parallel_loop3A_304 = tpu.vector_load %arg12[%parallel_loop3A_303] {strides = array<i32>} : memref<128xf32, #tpu.memory_space<vmem>>, vector<16xf32>,
        %parallel_loop3A_305 = vector.shape_cast %parallel_loop3A_304 : vector<16xf32> to vector<16xf32>
        %parallel_loop3A_306 = vector.shape_cast %parallel_loop3A_302 : vector<16xf32> to vector<16xf32>
        tpu.vector_store %arg12[%parallel_loop3A_303], %parallel_loop3A_306 {add = true, strides = array<i32>} : memref<128xf32, #tpu.memory_space<vmem>>, vector<16xf32>,
        %parallel_loop3A_307 = arith.addf %parallel_loop3A_299, %parallel_loop3A_301 : vector<16xf32>
        %parallel_loop3A_308 = arith.constant 0 : index
        %parallel_loop3A_309 = tpu.vector_load %arg13[%parallel_loop3A_308] {strides = array<i32>} : memref<128xf32, #tpu.memory_space<vmem>>, vector<16xf32>,
        %parallel_loop3A_310 = vector.shape_cast %parallel_loop3A_309 : vector<16xf32> to vector<16xf32>
        %parallel_loop3A_311 = vector.shape_cast %parallel_loop3A_307 : vector<16xf32> to vector<16xf32>
        tpu.vector_store %arg13[%parallel_loop3A_308], %parallel_loop3A_311 {add = true, strides = array<i32>} : memref<128xf32, #tpu.memory_space<vmem>>, vector<16xf32>,
      } {sc.loop_unroll_factor = 1 : i64, sc.parallel_access}
      %mul3A_109 = arith.constant 16384 : i32
      %mul3A_110 = arith.muli %add3A_96, %mul3A_109 : i32
      %add3A_111 = arith.addi %mul3A_2, %mul3A_110 : i32
      %dma_start3A_112 = tpu.memref_slice %arg4[%add3A_111] : memref<8388608xf32, #tpu.memory_space<hbm>> -> memref<16384xf32, #tpu.memory_space<hbm>>
      %dma_start3A_113 = tpu.memref_slice %arg4[%add3A_111] : memref<8388608xf32, #tpu.memory_space<hbm>> -> memref<16384xf32, #tpu.memory_space<hbm>>
      tpu.enqueue_dma source(%arg10 : memref<16384xf32, #tpu.memory_space<vmem>>) target(%dma_start3A_113 : memref<16384xf32, #tpu.memory_space<hbm>>) target_semaphore(%arg16 : memref<!tpu.dma_semaphore, #tpu.memory_space<semaphore_mem>>)
      %lt3A = arith.constant 7 : i32
      %lt3A_114 = arith.cmpi slt, %scan3A_91, %lt3A : i32
      %convert_element_type3A_115 = arith.extui %lt3A_114 : i1 to i32
      %cond3A_116 = arith.constant 0 : i32
      %cond3A_117 = arith.cmpi ne, %convert_element_type3A_115, %cond3A_116 : i32
      scf.if %cond3A_117 {
        %add3A_149 = arith.constant 2 : i32
        %add3A_150 = arith.addi %add3A_96, %add3A_149 : i32
        %mul3A_151 = arith.constant 16384 : i32
        %mul3A_152 = arith.muli %add3A_150, %mul3A_151 : i32
        %add3A_153 = arith.addi %mul3A_2, %mul3A_152 : i32
        %dma_start3A_154 = tpu.memref_slice %arg2[%add3A_153] : memref<8388608xf32, #tpu.memory_space<hbm>> -> memref<16384xf32, #tpu.memory_space<hbm>>
        %dma_start3A_155 = tpu.memref_slice %arg2[%add3A_153] : memref<8388608xf32, #tpu.memory_space<hbm>> -> memref<16384xf32, #tpu.memory_space<hbm>>
        tpu.enqueue_dma source(%dma_start3A_155 : memref<16384xf32, #tpu.memory_space<hbm>>) target(%arg6 : memref<16384xf32, #tpu.memory_space<vmem>>) target_semaphore(%arg14 : memref<!tpu.dma_semaphore, #tpu.memory_space<semaphore_mem>>)
        %dma_start3A_156 = tpu.memref_slice %arg3[%add3A_153] : memref<8388608xf32, #tpu.memory_space<hbm>> -> memref<16384xf32, #tpu.memory_space<hbm>>
        %dma_start3A_157 = tpu.memref_slice %arg3[%add3A_153] : memref<8388608xf32, #tpu.memory_space<hbm>> -> memref<16384xf32, #tpu.memory_space<hbm>>
        tpu.enqueue_dma source(%dma_start3A_157 : memref<16384xf32, #tpu.memory_space<hbm>>) target(%arg8 : memref<16384xf32, #tpu.memory_space<vmem>>) target_semaphore(%arg14 : memref<!tpu.dma_semaphore, #tpu.memory_space<semaphore_mem>>)
      } else {
      }
      %mul3A_118 = arith.constant 2 : i32
      %mul3A_119 = arith.muli %mul3A_118, %scan3A_91 : i32
      %add3A_120 = arith.constant 1 : i32
      %add3A_121 = arith.addi %mul3A_119, %add3A_120 : i32
      %dma_wait3A_122 = arith.constant 0 : i32
      %dma_wait3A_123 = tpu.memref_slice %arg2[%dma_wait3A_122] : memref<8388608xf32, #tpu.memory_space<hbm>> -> memref<16384xf32, #tpu.memory_space<hbm>>
      %dma_wait3A_124 = arith.constant 0 : i32
      %dma_wait3A_125 = tpu.memref_slice %arg2[%dma_wait3A_124] : memref<8388608xf32, #tpu.memory_space<hbm>> -> memref<16384xf32, #tpu.memory_space<hbm>>
      tpu.wait_dma2 semaphore(%arg15 : memref<!tpu.dma_semaphore, #tpu.memory_space<semaphore_mem>>) src(%dma_wait3A_125 : memref<16384xf32, #tpu.memory_space<hbm>>) dst(%arg7 : memref<16384xf32, #tpu.memory_space<vmem>>)
      %dma_wait3A_126 = arith.constant 0 : i32
      %dma_wait3A_127 = tpu.memref_slice %arg3[%dma_wait3A_126] : memref<8388608xf32, #tpu.memory_space<hbm>> -> memref<16384xf32, #tpu.memory_space<hbm>>
      %dma_wait3A_128 = arith.constant 0 : i32
      %dma_wait3A_129 = tpu.memref_slice %arg3[%dma_wait3A_128] : memref<8388608xf32, #tpu.memory_space<hbm>> -> memref<16384xf32, #tpu.memory_space<hbm>>
      tpu.wait_dma2 semaphore(%arg15 : memref<!tpu.dma_semaphore, #tpu.memory_space<semaphore_mem>>) src(%dma_wait3A_129 : memref<16384xf32, #tpu.memory_space<hbm>>) dst(%arg9 : memref<16384xf32, #tpu.memory_space<vmem>>)
      %ge3A_130 = arith.constant 1 : i32
      %ge3A_131 = arith.cmpi sge, %scan3A_91, %ge3A_130 : i32
      %convert_element_type3A_132 = arith.extui %ge3A_131 : i1 to i32
      %cond3A_133 = arith.constant 0 : i32
      %cond3A_134 = arith.cmpi ne, %convert_element_type3A_132, %cond3A_133 : i32
      scf.if %cond3A_134 {
        %dma_wait3A_149 = arith.constant 0 : i32
        %dma_wait3A_150 = tpu.memref_slice %arg4[%dma_wait3A_149] : memref<8388608xf32, #tpu.memory_space<hbm>> -> memref<16384xf32, #tpu.memory_space<hbm>>
        %dma_wait3A_151 = arith.constant 0 : i32
        %dma_wait3A_152 = tpu.memref_slice %arg4[%dma_wait3A_151] : memref<8388608xf32, #tpu.memory_space<hbm>> -> memref<16384xf32, #tpu.memory_space<hbm>>
        tpu.wait_dma2 semaphore(%arg17 : memref<!tpu.dma_semaphore, #tpu.memory_space<semaphore_mem>>) src(%arg11 : memref<16384xf32, #tpu.memory_space<vmem>>) dst(%dma_wait3A_152 : memref<16384xf32, #tpu.memory_space<hbm>>)
      } else {
      }
      %parallel_loop3A_135 = arith.constant 0 : i32
      %parallel_loop3A_136 = arith.constant 128 : i32
      %parallel_loop3A_137 = arith.constant 1 : i32
      scf.for %parallel_loop3A_149 = %parallel_loop3A_135 to %parallel_loop3A_136 step %parallel_loop3A_137  : i32 {
        %parallel_loop3A_150 = arith.constant 128 : i32
        %parallel_loop3A_151 = arith.muli %parallel_loop3A_149, %parallel_loop3A_150 : i32
        %parallel_loop3A_152 = arith.constant 0 : i32
        %parallel_loop3A_153 = arith.addi %parallel_loop3A_151, %parallel_loop3A_152 : i32
        %parallel_loop3A_154 = arith.index_cast %parallel_loop3A_153 : i32 to index
        %parallel_loop3A_155 = tpu.vector_load %arg7[%parallel_loop3A_154] {strides = array<i32>} : memref<16384xf32, #tpu.memory_space<vmem>>, vector<16xf32>,
        %parallel_loop3A_156 = vector.shape_cast %parallel_loop3A_155 : vector<16xf32> to vector<16xf32>
        %parallel_loop3A_157 = arith.index_cast %parallel_loop3A_153 : i32 to index
        %parallel_loop3A_158 = tpu.vector_load %arg9[%parallel_loop3A_157] {strides = array<i32>} : memref<16384xf32, #tpu.memory_space<vmem>>, vector<16xf32>,
        %parallel_loop3A_159 = vector.shape_cast %parallel_loop3A_158 : vector<16xf32> to vector<16xf32>
        %parallel_loop3A_160 = arith.constant 16 : i32
        %parallel_loop3A_161 = arith.addi %parallel_loop3A_153, %parallel_loop3A_160 : i32
        %parallel_loop3A_162 = arith.index_cast %parallel_loop3A_161 : i32 to index
        %parallel_loop3A_163 = tpu.vector_load %arg7[%parallel_loop3A_162] {strides = array<i32>} : memref<16384xf32, #tpu.memory_space<vmem>>, vector<16xf32>,
        %parallel_loop3A_164 = vector.shape_cast %parallel_loop3A_163 : vector<16xf32> to vector<16xf32>
        %parallel_loop3A_165 = arith.constant 16 : i32
        %parallel_loop3A_166 = arith.addi %parallel_loop3A_153, %parallel_loop3A_165 : i32
        %parallel_loop3A_167 = arith.index_cast %parallel_loop3A_166 : i32 to index
        %parallel_loop3A_168 = tpu.vector_load %arg9[%parallel_loop3A_167] {strides = array<i32>} : memref<16384xf32, #tpu.memory_space<vmem>>, vector<16xf32>,
        %parallel_loop3A_169 = vector.shape_cast %parallel_loop3A_168 : vector<16xf32> to vector<16xf32>
        %parallel_loop3A_170 = arith.addf %parallel_loop3A_156, %parallel_loop3A_159 : vector<16xf32>
        %parallel_loop3A_171 = arith.addf %parallel_loop3A_164, %parallel_loop3A_169 : vector<16xf32>
        %parallel_loop3A_172 = arith.index_cast %parallel_loop3A_153 : i32 to index
        %parallel_loop3A_173 = tpu.vector_load %arg11[%parallel_loop3A_172] {strides = array<i32>} : memref<16384xf32, #tpu.memory_space<vmem>>, vector<16xf32>,
        %parallel_loop3A_174 = vector.shape_cast %parallel_loop3A_173 : vector<16xf32> to vector<16xf32>
        %parallel_loop3A_175 = vector.shape_cast %parallel_loop3A_170 : vector<16xf32> to vector<16xf32>
        tpu.vector_store %arg11[%parallel_loop3A_172], %parallel_loop3A_175 {strides = array<i32>} : memref<16384xf32, #tpu.memory_space<vmem>>, vector<16xf32>,
        %parallel_loop3A_176 = arith.constant 16 : i32
        %parallel_loop3A_177 = arith.addi %parallel_loop3A_153, %parallel_loop3A_176 : i32
        %parallel_loop3A_178 = arith.index_cast %parallel_loop3A_177 : i32 to index
        %parallel_loop3A_179 = tpu.vector_load %arg11[%parallel_loop3A_178] {strides = array<i32>} : memref<16384xf32, #tpu.memory_space<vmem>>, vector<16xf32>,
        %parallel_loop3A_180 = vector.shape_cast %parallel_loop3A_179 : vector<16xf32> to vector<16xf32>
        %parallel_loop3A_181 = vector.shape_cast %parallel_loop3A_171 : vector<16xf32> to vector<16xf32>
        tpu.vector_store %arg11[%parallel_loop3A_178], %parallel_loop3A_181 {strides = array<i32>} : memref<16384xf32, #tpu.memory_space<vmem>>, vector<16xf32>,
        %parallel_loop3A_182 = arith.addf %broadcast_in_dim3A_3, %parallel_loop3A_170 : vector<16xf32>
        %parallel_loop3A_183 = arith.addf %broadcast_in_dim3A_3, %parallel_loop3A_171 : vector<16xf32>
        %parallel_loop3A_184 = arith.mulf %parallel_loop3A_156, %parallel_loop3A_159 : vector<16xf32>
        %parallel_loop3A_185 = arith.addf %broadcast_in_dim3A_3, %parallel_loop3A_184 : vector<16xf32>
        %parallel_loop3A_186 = arith.mulf %parallel_loop3A_164, %parallel_loop3A_169 : vector<16xf32>
        %parallel_loop3A_187 = arith.addf %broadcast_in_dim3A_3, %parallel_loop3A_186 : vector<16xf32>
        %parallel_loop3A_188 = arith.constant 128 : i32
        %parallel_loop3A_189 = arith.muli %parallel_loop3A_149, %parallel_loop3A_188 : i32
        %parallel_loop3A_190 = arith.constant 32 : i32
        %parallel_loop3A_191 = arith.addi %parallel_loop3A_189, %parallel_loop3A_190 : i32
        %parallel_loop3A_192 = arith.index_cast %parallel_loop3A_191 : i32 to index
        %parallel_loop3A_193 = tpu.vector_load %arg7[%parallel_loop3A_192] {strides = array<i32>} : memref<16384xf32, #tpu.memory_space<vmem>>, vector<16xf32>,
        %parallel_loop3A_194 = vector.shape_cast %parallel_loop3A_193 : vector<16xf32> to vector<16xf32>
        %parallel_loop3A_195 = arith.index_cast %parallel_loop3A_191 : i32 to index
        %parallel_loop3A_196 = tpu.vector_load %arg9[%parallel_loop3A_195] {strides = array<i32>} : memref<16384xf32, #tpu.memory_space<vmem>>, vector<16xf32>,
        %parallel_loop3A_197 = vector.shape_cast %parallel_loop3A_196 : vector<16xf32> to vector<16xf32>
        %parallel_loop3A_198 = arith.constant 16 : i32
        %parallel_loop3A_199 = arith.addi %parallel_loop3A_191, %parallel_loop3A_198 : i32
        %parallel_loop3A_200 = arith.index_cast %parallel_loop3A_199 : i32 to index
        %parallel_loop3A_201 = tpu.vector_load %arg7[%parallel_loop3A_200] {strides = array<i32>} : memref<16384xf32, #tpu.memory_space<vmem>>, vector<16xf32>,
        %parallel_loop3A_202 = vector.shape_cast %parallel_loop3A_201 : vector<16xf32> to vector<16xf32>
        %parallel_loop3A_203 = arith.constant 16 : i32
        %parallel_loop3A_204 = arith.addi %parallel_loop3A_191, %parallel_loop3A_203 : i32
        %parallel_loop3A_205 = arith.index_cast %parallel_loop3A_204 : i32 to index
        %parallel_loop3A_206 = tpu.vector_load %arg9[%parallel_loop3A_205] {strides = array<i32>} : memref<16384xf32, #tpu.memory_space<vmem>>, vector<16xf32>,
        %parallel_loop3A_207 = vector.shape_cast %parallel_loop3A_206 : vector<16xf32> to vector<16xf32>
        %parallel_loop3A_208 = arith.addf %parallel_loop3A_194, %parallel_loop3A_197 : vector<16xf32>
        %parallel_loop3A_209 = arith.addf %parallel_loop3A_202, %parallel_loop3A_207 : vector<16xf32>
        %parallel_loop3A_210 = arith.index_cast %parallel_loop3A_191 : i32 to index
        %parallel_loop3A_211 = tpu.vector_load %arg11[%parallel_loop3A_210] {strides = array<i32>} : memref<16384xf32, #tpu.memory_space<vmem>>, vector<16xf32>,
        %parallel_loop3A_212 = vector.shape_cast %parallel_loop3A_211 : vector<16xf32> to vector<16xf32>
        %parallel_loop3A_213 = vector.shape_cast %parallel_loop3A_208 : vector<16xf32> to vector<16xf32>
        tpu.vector_store %arg11[%parallel_loop3A_210], %parallel_loop3A_213 {strides = array<i32>} : memref<16384xf32, #tpu.memory_space<vmem>>, vector<16xf32>,
        %parallel_loop3A_214 = arith.constant 16 : i32
        %parallel_loop3A_215 = arith.addi %parallel_loop3A_191, %parallel_loop3A_214 : i32
        %parallel_loop3A_216 = arith.index_cast %parallel_loop3A_215 : i32 to index
        %parallel_loop3A_217 = tpu.vector_load %arg11[%parallel_loop3A_216] {strides = array<i32>} : memref<16384xf32, #tpu.memory_space<vmem>>, vector<16xf32>,
        %parallel_loop3A_218 = vector.shape_cast %parallel_loop3A_217 : vector<16xf32> to vector<16xf32>
        %parallel_loop3A_219 = vector.shape_cast %parallel_loop3A_209 : vector<16xf32> to vector<16xf32>
        tpu.vector_store %arg11[%parallel_loop3A_216], %parallel_loop3A_219 {strides = array<i32>} : memref<16384xf32, #tpu.memory_space<vmem>>, vector<16xf32>,
        %parallel_loop3A_220 = arith.addf %parallel_loop3A_182, %parallel_loop3A_208 : vector<16xf32>
        %parallel_loop3A_221 = arith.addf %parallel_loop3A_183, %parallel_loop3A_209 : vector<16xf32>
        %parallel_loop3A_222 = arith.mulf %parallel_loop3A_194, %parallel_loop3A_197 : vector<16xf32>
        %parallel_loop3A_223 = arith.addf %parallel_loop3A_185, %parallel_loop3A_222 : vector<16xf32>
        %parallel_loop3A_224 = arith.mulf %parallel_loop3A_202, %parallel_loop3A_207 : vector<16xf32>
        %parallel_loop3A_225 = arith.addf %parallel_loop3A_187, %parallel_loop3A_224 : vector<16xf32>
        %parallel_loop3A_226 = arith.constant 128 : i32
        %parallel_loop3A_227 = arith.muli %parallel_loop3A_149, %parallel_loop3A_226 : i32
        %parallel_loop3A_228 = arith.constant 64 : i32
        %parallel_loop3A_229 = arith.addi %parallel_loop3A_227, %parallel_loop3A_228 : i32
        %parallel_loop3A_230 = arith.index_cast %parallel_loop3A_229 : i32 to index
        %parallel_loop3A_231 = tpu.vector_load %arg7[%parallel_loop3A_230] {strides = array<i32>} : memref<16384xf32, #tpu.memory_space<vmem>>, vector<16xf32>,
        %parallel_loop3A_232 = vector.shape_cast %parallel_loop3A_231 : vector<16xf32> to vector<16xf32>
        %parallel_loop3A_233 = arith.index_cast %parallel_loop3A_229 : i32 to index
        %parallel_loop3A_234 = tpu.vector_load %arg9[%parallel_loop3A_233] {strides = array<i32>} : memref<16384xf32, #tpu.memory_space<vmem>>, vector<16xf32>,
        %parallel_loop3A_235 = vector.shape_cast %parallel_loop3A_234 : vector<16xf32> to vector<16xf32>
        %parallel_loop3A_236 = arith.constant 16 : i32
        %parallel_loop3A_237 = arith.addi %parallel_loop3A_229, %parallel_loop3A_236 : i32
        %parallel_loop3A_238 = arith.index_cast %parallel_loop3A_237 : i32 to index
        %parallel_loop3A_239 = tpu.vector_load %arg7[%parallel_loop3A_238] {strides = array<i32>} : memref<16384xf32, #tpu.memory_space<vmem>>, vector<16xf32>,
        %parallel_loop3A_240 = vector.shape_cast %parallel_loop3A_239 : vector<16xf32> to vector<16xf32>
        %parallel_loop3A_241 = arith.constant 16 : i32
        %parallel_loop3A_242 = arith.addi %parallel_loop3A_229, %parallel_loop3A_241 : i32
        %parallel_loop3A_243 = arith.index_cast %parallel_loop3A_242 : i32 to index
        %parallel_loop3A_244 = tpu.vector_load %arg9[%parallel_loop3A_243] {strides = array<i32>} : memref<16384xf32, #tpu.memory_space<vmem>>, vector<16xf32>,
        %parallel_loop3A_245 = vector.shape_cast %parallel_loop3A_244 : vector<16xf32> to vector<16xf32>
        %parallel_loop3A_246 = arith.addf %parallel_loop3A_232, %parallel_loop3A_235 : vector<16xf32>
        %parallel_loop3A_247 = arith.addf %parallel_loop3A_240, %parallel_loop3A_245 : vector<16xf32>
        %parallel_loop3A_248 = arith.index_cast %parallel_loop3A_229 : i32 to index
        %parallel_loop3A_249 = tpu.vector_load %arg11[%parallel_loop3A_248] {strides = array<i32>} : memref<16384xf32, #tpu.memory_space<vmem>>, vector<16xf32>,
        %parallel_loop3A_250 = vector.shape_cast %parallel_loop3A_249 : vector<16xf32> to vector<16xf32>
        %parallel_loop3A_251 = vector.shape_cast %parallel_loop3A_246 : vector<16xf32> to vector<16xf32>
        tpu.vector_store %arg11[%parallel_loop3A_248], %parallel_loop3A_251 {strides = array<i32>} : memref<16384xf32, #tpu.memory_space<vmem>>, vector<16xf32>,
        %parallel_loop3A_252 = arith.constant 16 : i32
        %parallel_loop3A_253 = arith.addi %parallel_loop3A_229, %parallel_loop3A_252 : i32
        %parallel_loop3A_254 = arith.index_cast %parallel_loop3A_253 : i32 to index
        %parallel_loop3A_255 = tpu.vector_load %arg11[%parallel_loop3A_254] {strides = array<i32>} : memref<16384xf32, #tpu.memory_space<vmem>>, vector<16xf32>,
        %parallel_loop3A_256 = vector.shape_cast %parallel_loop3A_255 : vector<16xf32> to vector<16xf32>
        %parallel_loop3A_257 = vector.shape_cast %parallel_loop3A_247 : vector<16xf32> to vector<16xf32>
        tpu.vector_store %arg11[%parallel_loop3A_254], %parallel_loop3A_257 {strides = array<i32>} : memref<16384xf32, #tpu.memory_space<vmem>>, vector<16xf32>,
        %parallel_loop3A_258 = arith.addf %parallel_loop3A_220, %parallel_loop3A_246 : vector<16xf32>
        %parallel_loop3A_259 = arith.addf %parallel_loop3A_221, %parallel_loop3A_247 : vector<16xf32>
        %parallel_loop3A_260 = arith.mulf %parallel_loop3A_232, %parallel_loop3A_235 : vector<16xf32>
        %parallel_loop3A_261 = arith.addf %parallel_loop3A_223, %parallel_loop3A_260 : vector<16xf32>
        %parallel_loop3A_262 = arith.mulf %parallel_loop3A_240, %parallel_loop3A_245 : vector<16xf32>
        %parallel_loop3A_263 = arith.addf %parallel_loop3A_225, %parallel_loop3A_262 : vector<16xf32>
        %parallel_loop3A_264 = arith.constant 128 : i32
        %parallel_loop3A_265 = arith.muli %parallel_loop3A_149, %parallel_loop3A_264 : i32
        %parallel_loop3A_266 = arith.constant 96 : i32
        %parallel_loop3A_267 = arith.addi %parallel_loop3A_265, %parallel_loop3A_266 : i32
        %parallel_loop3A_268 = arith.index_cast %parallel_loop3A_267 : i32 to index
        %parallel_loop3A_269 = tpu.vector_load %arg7[%parallel_loop3A_268] {strides = array<i32>} : memref<16384xf32, #tpu.memory_space<vmem>>, vector<16xf32>,
        %parallel_loop3A_270 = vector.shape_cast %parallel_loop3A_269 : vector<16xf32> to vector<16xf32>
        %parallel_loop3A_271 = arith.index_cast %parallel_loop3A_267 : i32 to index
        %parallel_loop3A_272 = tpu.vector_load %arg9[%parallel_loop3A_271] {strides = array<i32>} : memref<16384xf32, #tpu.memory_space<vmem>>, vector<16xf32>,
        %parallel_loop3A_273 = vector.shape_cast %parallel_loop3A_272 : vector<16xf32> to vector<16xf32>
        %parallel_loop3A_274 = arith.constant 16 : i32
        %parallel_loop3A_275 = arith.addi %parallel_loop3A_267, %parallel_loop3A_274 : i32
        %parallel_loop3A_276 = arith.index_cast %parallel_loop3A_275 : i32 to index
        %parallel_loop3A_277 = tpu.vector_load %arg7[%parallel_loop3A_276] {strides = array<i32>} : memref<16384xf32, #tpu.memory_space<vmem>>, vector<16xf32>,
        %parallel_loop3A_278 = vector.shape_cast %parallel_loop3A_277 : vector<16xf32> to vector<16xf32>
        %parallel_loop3A_279 = arith.constant 16 : i32
        %parallel_loop3A_280 = arith.addi %parallel_loop3A_267, %parallel_loop3A_279 : i32
        %parallel_loop3A_281 = arith.index_cast %parallel_loop3A_280 : i32 to index
        %parallel_loop3A_282 = tpu.vector_load %arg9[%parallel_loop3A_281] {strides = array<i32>} : memref<16384xf32, #tpu.memory_space<vmem>>, vector<16xf32>,
        %parallel_loop3A_283 = vector.shape_cast %parallel_loop3A_282 : vector<16xf32> to vector<16xf32>
        %parallel_loop3A_284 = arith.addf %parallel_loop3A_270, %parallel_loop3A_273 : vector<16xf32>
        %parallel_loop3A_285 = arith.addf %parallel_loop3A_278, %parallel_loop3A_283 : vector<16xf32>
        %parallel_loop3A_286 = arith.index_cast %parallel_loop3A_267 : i32 to index
        %parallel_loop3A_287 = tpu.vector_load %arg11[%parallel_loop3A_286] {strides = array<i32>} : memref<16384xf32, #tpu.memory_space<vmem>>, vector<16xf32>,
        %parallel_loop3A_288 = vector.shape_cast %parallel_loop3A_287 : vector<16xf32> to vector<16xf32>
        %parallel_loop3A_289 = vector.shape_cast %parallel_loop3A_284 : vector<16xf32> to vector<16xf32>
        tpu.vector_store %arg11[%parallel_loop3A_286], %parallel_loop3A_289 {strides = array<i32>} : memref<16384xf32, #tpu.memory_space<vmem>>, vector<16xf32>,
        %parallel_loop3A_290 = arith.constant 16 : i32
        %parallel_loop3A_291 = arith.addi %parallel_loop3A_267, %parallel_loop3A_290 : i32
        %parallel_loop3A_292 = arith.index_cast %parallel_loop3A_291 : i32 to index
        %parallel_loop3A_293 = tpu.vector_load %arg11[%parallel_loop3A_292] {strides = array<i32>} : memref<16384xf32, #tpu.memory_space<vmem>>, vector<16xf32>,
        %parallel_loop3A_294 = vector.shape_cast %parallel_loop3A_293 : vector<16xf32> to vector<16xf32>
        %parallel_loop3A_295 = vector.shape_cast %parallel_loop3A_285 : vector<16xf32> to vector<16xf32>
        tpu.vector_store %arg11[%parallel_loop3A_292], %parallel_loop3A_295 {strides = array<i32>} : memref<16384xf32, #tpu.memory_space<vmem>>, vector<16xf32>,
        %parallel_loop3A_296 = arith.addf %parallel_loop3A_258, %parallel_loop3A_284 : vector<16xf32>
        %parallel_loop3A_297 = arith.addf %parallel_loop3A_259, %parallel_loop3A_285 : vector<16xf32>
        %parallel_loop3A_298 = arith.mulf %parallel_loop3A_270, %parallel_loop3A_273 : vector<16xf32>
        %parallel_loop3A_299 = arith.addf %parallel_loop3A_261, %parallel_loop3A_298 : vector<16xf32>
        %parallel_loop3A_300 = arith.mulf %parallel_loop3A_278, %parallel_loop3A_283 : vector<16xf32>
        %parallel_loop3A_301 = arith.addf %parallel_loop3A_263, %parallel_loop3A_300 : vector<16xf32>
        %parallel_loop3A_302 = arith.addf %parallel_loop3A_296, %parallel_loop3A_297 : vector<16xf32>
        %parallel_loop3A_303 = arith.constant 0 : index
        %parallel_loop3A_304 = tpu.vector_load %arg12[%parallel_loop3A_303] {strides = array<i32>} : memref<128xf32, #tpu.memory_space<vmem>>, vector<16xf32>,
        %parallel_loop3A_305 = vector.shape_cast %parallel_loop3A_304 : vector<16xf32> to vector<16xf32>
        %parallel_loop3A_306 = vector.shape_cast %parallel_loop3A_302 : vector<16xf32> to vector<16xf32>
        tpu.vector_store %arg12[%parallel_loop3A_303], %parallel_loop3A_306 {add = true, strides = array<i32>} : memref<128xf32, #tpu.memory_space<vmem>>, vector<16xf32>,
        %parallel_loop3A_307 = arith.addf %parallel_loop3A_299, %parallel_loop3A_301 : vector<16xf32>
        %parallel_loop3A_308 = arith.constant 0 : index
        %parallel_loop3A_309 = tpu.vector_load %arg13[%parallel_loop3A_308] {strides = array<i32>} : memref<128xf32, #tpu.memory_space<vmem>>, vector<16xf32>,
        %parallel_loop3A_310 = vector.shape_cast %parallel_loop3A_309 : vector<16xf32> to vector<16xf32>
        %parallel_loop3A_311 = vector.shape_cast %parallel_loop3A_307 : vector<16xf32> to vector<16xf32>
        tpu.vector_store %arg13[%parallel_loop3A_308], %parallel_loop3A_311 {add = true, strides = array<i32>} : memref<128xf32, #tpu.memory_space<vmem>>, vector<16xf32>,
      } {sc.loop_unroll_factor = 1 : i64, sc.parallel_access}
      %mul3A_138 = arith.constant 16384 : i32
      %mul3A_139 = arith.muli %add3A_121, %mul3A_138 : i32
      %add3A_140 = arith.addi %mul3A_2, %mul3A_139 : i32
      %dma_start3A_141 = tpu.memref_slice %arg4[%add3A_140] : memref<8388608xf32, #tpu.memory_space<hbm>> -> memref<16384xf32, #tpu.memory_space<hbm>>
      %dma_start3A_142 = tpu.memref_slice %arg4[%add3A_140] : memref<8388608xf32, #tpu.memory_space<hbm>> -> memref<16384xf32, #tpu.memory_space<hbm>>
      tpu.enqueue_dma source(%arg11 : memref<16384xf32, #tpu.memory_space<vmem>>) target(%dma_start3A_142 : memref<16384xf32, #tpu.memory_space<hbm>>) target_semaphore(%arg17 : memref<!tpu.dma_semaphore, #tpu.memory_space<semaphore_mem>>)
      %lt3A_143 = arith.constant 7 : i32
      %lt3A_144 = arith.cmpi slt, %scan3A_91, %lt3A_143 : i32
      %convert_element_type3A_145 = arith.extui %lt3A_144 : i1 to i32
      %cond3A_146 = arith.constant 0 : i32
      %cond3A_147 = arith.cmpi ne, %convert_element_type3A_145, %cond3A_146 : i32
      scf.if %cond3A_147 {
        %add3A_149 = arith.constant 2 : i32
        %add3A_150 = arith.addi %add3A_121, %add3A_149 : i32
        %mul3A_151 = arith.constant 16384 : i32
        %mul3A_152 = arith.muli %add3A_150, %mul3A_151 : i32
        %add3A_153 = arith.addi %mul3A_2, %mul3A_152 : i32
        %dma_start3A_154 = tpu.memref_slice %arg2[%add3A_153] : memref<8388608xf32, #tpu.memory_space<hbm>> -> memref<16384xf32, #tpu.memory_space<hbm>>
        %dma_start3A_155 = tpu.memref_slice %arg2[%add3A_153] : memref<8388608xf32, #tpu.memory_space<hbm>> -> memref<16384xf32, #tpu.memory_space<hbm>>
        tpu.enqueue_dma source(%dma_start3A_155 : memref<16384xf32, #tpu.memory_space<hbm>>) target(%arg7 : memref<16384xf32, #tpu.memory_space<vmem>>) target_semaphore(%arg15 : memref<!tpu.dma_semaphore, #tpu.memory_space<semaphore_mem>>)
        %dma_start3A_156 = tpu.memref_slice %arg3[%add3A_153] : memref<8388608xf32, #tpu.memory_space<hbm>> -> memref<16384xf32, #tpu.memory_space<hbm>>
        %dma_start3A_157 = tpu.memref_slice %arg3[%add3A_153] : memref<8388608xf32, #tpu.memory_space<hbm>> -> memref<16384xf32, #tpu.memory_space<hbm>>
        tpu.enqueue_dma source(%dma_start3A_157 : memref<16384xf32, #tpu.memory_space<hbm>>) target(%arg9 : memref<16384xf32, #tpu.memory_space<vmem>>) target_semaphore(%arg15 : memref<!tpu.dma_semaphore, #tpu.memory_space<semaphore_mem>>)
      } else {
      }
      %scan3A_148 = arith.constant 0 : i32
      scf.yield %scan3A_148 : i32
    }
    %scan3A_83 = arith.constant 8 : i32
    %dma_wait3A = arith.constant 0 : i32
    %dma_wait3A_84 = tpu.memref_slice %arg4[%dma_wait3A] : memref<8388608xf32, #tpu.memory_space<hbm>> -> memref<16384xf32, #tpu.memory_space<hbm>>
    %dma_wait3A_85 = arith.constant 0 : i32
    %dma_wait3A_86 = tpu.memref_slice %arg4[%dma_wait3A_85] : memref<8388608xf32, #tpu.memory_space<hbm>> -> memref<16384xf32, #tpu.memory_space<hbm>>
    tpu.wait_dma2 semaphore(%arg16 : memref<!tpu.dma_semaphore, #tpu.memory_space<semaphore_mem>>) src(%arg10 : memref<16384xf32, #tpu.memory_space<vmem>>) dst(%dma_wait3A_86 : memref<16384xf32, #tpu.memory_space<hbm>>)
    %dma_wait3A_87 = arith.constant 0 : i32
    %dma_wait3A_88 = tpu.memref_slice %arg4[%dma_wait3A_87] : memref<8388608xf32, #tpu.memory_space<hbm>> -> memref<16384xf32, #tpu.memory_space<hbm>>
    %dma_wait3A_89 = arith.constant 0 : i32
    %dma_wait3A_90 = tpu.memref_slice %arg4[%dma_wait3A_89] : memref<8388608xf32, #tpu.memory_space<hbm>> -> memref<16384xf32, #tpu.memory_space<hbm>>
    tpu.wait_dma2 semaphore(%arg17 : memref<!tpu.dma_semaphore, #tpu.memory_space<semaphore_mem>>) src(%arg11 : memref<16384xf32, #tpu.memory_space<vmem>>) dst(%dma_wait3A_90 : memref<16384xf32, #tpu.memory_space<hbm>>)
    "tpu.region"() ({
      %run_scoped3A = tpu.sem_alloc : memref<!tpu.dma_semaphore, #tpu.memory_space<semaphore_mem>>
      %dma_start3A_91 = arith.constant 0 : i32
      %dma_start3A_92 = tpu.memref_slice %arg5[%add3A, %dma_start3A_91] : memref<32x256xf32, #tpu.memory_space<hbm>> -> memref<1x128xf32, #tpu.memory_space<hbm>>
      %dma_start3A_93 = tpu.memref_squeeze %dma_start3A_92 : memref<1x128xf32, #tpu.memory_space<hbm>> -> memref<128xf32, #tpu.memory_space<hbm>>
      %dma_start3A_94 = arith.constant 0 : i32
      %dma_start3A_95 = tpu.memref_slice %arg5[%add3A, %dma_start3A_94] : memref<32x256xf32, #tpu.memory_space<hbm>> -> memref<1x128xf32, #tpu.memory_space<hbm>>
      %dma_start3A_96 = tpu.memref_squeeze %dma_start3A_95 : memref<1x128xf32, #tpu.memory_space<hbm>> -> memref<128xf32, #tpu.memory_space<hbm>>
      tpu.enqueue_dma source(%arg12 : memref<128xf32, #tpu.memory_space<vmem>>) target(%dma_start3A_96 : memref<128xf32, #tpu.memory_space<hbm>>) target_semaphore(%run_scoped3A : memref<!tpu.dma_semaphore, #tpu.memory_space<semaphore_mem>>)
      %dma_wait3A_97 = arith.constant 0 : i32
      %dma_wait3A_98 = tpu.memref_slice %arg5[%add3A, %dma_wait3A_97] : memref<32x256xf32, #tpu.memory_space<hbm>> -> memref<1x128xf32, #tpu.memory_space<hbm>>
      %dma_wait3A_99 = tpu.memref_squeeze %dma_wait3A_98 : memref<1x128xf32, #tpu.memory_space<hbm>> -> memref<128xf32, #tpu.memory_space<hbm>>
      %dma_wait3A_100 = arith.constant 0 : i32
      %dma_wait3A_101 = tpu.memref_slice %arg5[%add3A, %dma_wait3A_100] : memref<32x256xf32, #tpu.memory_space<hbm>> -> memref<1x128xf32, #tpu.memory_space<hbm>>
      %dma_wait3A_102 = tpu.memref_squeeze %dma_wait3A_101 : memref<1x128xf32, #tpu.memory_space<hbm>> -> memref<128xf32, #tpu.memory_space<hbm>>
      tpu.wait_dma2 semaphore(%run_scoped3A : memref<!tpu.dma_semaphore, #tpu.memory_space<semaphore_mem>>) src(%arg12 : memref<128xf32, #tpu.memory_space<vmem>>) dst(%dma_wait3A_102 : memref<128xf32, #tpu.memory_space<hbm>>)
      tpu.yield
    }) : () -> ()
    "tpu.region"() ({
      %run_scoped3A = tpu.sem_alloc : memref<!tpu.dma_semaphore, #tpu.memory_space<semaphore_mem>>
      %dma_start3A_91 = arith.constant 128 : i32
      %dma_start3A_92 = tpu.memref_slice %arg5[%add3A, %dma_start3A_91] : memref<32x256xf32, #tpu.memory_space<hbm>> -> memref<1x128xf32, #tpu.memory_space<hbm>>
      %dma_start3A_93 = tpu.memref_squeeze %dma_start3A_92 : memref<1x128xf32, #tpu.memory_space<hbm>> -> memref<128xf32, #tpu.memory_space<hbm>>
      %dma_start3A_94 = arith.constant 128 : i32
      %dma_start3A_95 = tpu.memref_slice %arg5[%add3A, %dma_start3A_94] : memref<32x256xf32, #tpu.memory_space<hbm>> -> memref<1x128xf32, #tpu.memory_space<hbm>>
      %dma_start3A_96 = tpu.memref_squeeze %dma_start3A_95 : memref<1x128xf32, #tpu.memory_space<hbm>> -> memref<128xf32, #tpu.memory_space<hbm>>
      tpu.enqueue_dma source(%arg13 : memref<128xf32, #tpu.memory_space<vmem>>) target(%dma_start3A_96 : memref<128xf32, #tpu.memory_space<hbm>>) target_semaphore(%run_scoped3A : memref<!tpu.dma_semaphore, #tpu.memory_space<semaphore_mem>>)
      %dma_wait3A_97 = arith.constant 128 : i32
      %dma_wait3A_98 = tpu.memref_slice %arg5[%add3A, %dma_wait3A_97] : memref<32x256xf32, #tpu.memory_space<hbm>> -> memref<1x128xf32, #tpu.memory_space<hbm>>
      %dma_wait3A_99 = tpu.memref_squeeze %dma_wait3A_98 : memref<1x128xf32, #tpu.memory_space<hbm>> -> memref<128xf32, #tpu.memory_space<hbm>>
      %dma_wait3A_100 = arith.constant 128 : i32
      %dma_wait3A_101 = tpu.memref_slice %arg5[%add3A, %dma_wait3A_100] : memref<32x256xf32, #tpu.memory_space<hbm>> -> memref<1x128xf32, #tpu.memory_space<hbm>>
      %dma_wait3A_102 = tpu.memref_squeeze %dma_wait3A_101 : memref<1x128xf32, #tpu.memory_space<hbm>> -> memref<128xf32, #tpu.memory_space<hbm>>
      tpu.wait_dma2 semaphore(%run_scoped3A : memref<!tpu.dma_semaphore, #tpu.memory_space<semaphore_mem>>) src(%arg13 : memref<128xf32, #tpu.memory_space<vmem>>) dst(%dma_wait3A_102 : memref<128xf32, #tpu.memory_space<hbm>>)
      tpu.yield
    }) : () -> ()
    return
  }
}

</mosaic_0001>

<sc_bundles>
// kernel: kernel.3.cloned.1.call-start
scs
__scs_entry_jumppad:
0x0: {  	(pc) =	sbr.rel $0x88, $3  }
0x1: {  	(tag) =	ssettag $0x0;
	lr =	simm.s32 $0x1  }
0x2: {  	[smem:$0x3F9F] =	sst lr;
	_ =	strace $0xD0000000  }
0x3: {  	_ = 	snop  }
0x4: {  	_ = 	snop  }
0x5: {  	_ = 	snop  }
0x6: {  	_ = 	snop  }
0x7: {  	_ = 	snop  }
__scs_overlays_trampoline_lowered:
0x8: {  	[smem:$0x3FAE] =	sst s0  }
0x9: {  	[smem:$0x3FAF] =	sst s1  }
0xa: {  	[smem:$0x3FB0] =	sst s2  }
0xb: {  	[smem:$0x3FB1] =	sst s3  }
0xc: {  	[smem:$0x3FB2] =	sst s4  }
0xd: {  	[smem:$0x3FB3] =	sst s5  }
0xe: {  	[smem:$0x3FB4] =	sst s6  }
0xf: {  	[smem:$0x3FB5] =	sst s7  }
0x10: {  	[smem:$0x3FB6] =	sst s8  }
0x11: {  	[smem:$0x3FB7] =	sst s9;
	s0 =	simm.s32 @!p0 $0x0  }
0x12: {  	s1 =	sld [smem:$0x3F9D];
	s0 =	simm.s32 @p0 $0x1  }
0x13: {  	[smem:$0x3FB8] =	sst s0;
	s0 =	simm.s32 @!p1 $0x0  }
0x14: {  	s2 =	sld [smem:$0x3F9C];
	s0 =	simm.s32 @p1 $0x1  }
0x15: {  	[smem:$0x3FB9] =	sst s0;
	s0 =	simm.s32 @!p2 $0x0  }
0x16: {  	s3 =	sld [smem:$0x3FDB];
	s0 =	simm.s32 @p2 $0x1  }
0x17: {  	s4 =	simm.s32 $0x1BF5;
	[smem:$0x3FBB] =	sst s0  }
0x18: {  	s0 =	sld [smem:$0x3F9E];
	_ =	swait.ge [sflag:s4], $0x0  }
0x19: {  	s7 =	sld [smem:$0x3F9F]  }
0x1a: {  	s8 =	sadd.s32 $0xFFFFE003, lr  }
0x1b: {  	s9 =	sadd.s32 $0xFFFFFEF7, lr;
	s5 =	simm.s32 $0xFFFFFFFF;
	p2 =	slt.u32 s8, $0xFFFFF086  }
0x1c: {  	p1 =	slt.u32 s9, $0xF7A;
	s5 =	simm.s32 @!p2 $0x0  }
0x1d: {  	s5 =	simm.s32 @p1 $0x1;
	p0 =	seq.s32 s7, s2  }
0x1e: {  	s7 =	smul.u32 @!p0 $0xF7A, s2;
	p2 =	seq.s32 @!p0 s5, $0x0  }
0x1f: {  	s9 =	smul.u32 $0xF7A, s1;
	s8 =	simm.s32 @!p0 $0x1BF5;
	p2 =	por !p2, p0  }
0x20: {  	[sflag:s8] =	ssyncset.s32 @!p0 $0xFFFFF086;
	s6 =	sadd.s32 @!p0 s3, s7;
	s7 =	simm.s32 @!p0 $0x108  }
0x21: {  	s3 =	sadd.s32 s3, s9;
	s6 =	sadd.s32 @!p0 $0x88, s6;
	s7 =	simm.s32 @p2 $0x1082  }
0x22: {  	[simem:s7], [sflag:s8] =	dma.local @!p0 [hbm:s6], $0xF7A  }
0x23: {  	s9 =	sor.u32 $0xD0000000, s2;
	s6 =	simm.s32 $0x108;
	_ =	swait.ge @!p0 [sflag:s8], $0x0  }
0x24: {  	s3 =	sadd.s32 $0x88, s3;
	s6 =	simm.s32 @!p1 $0x1082;
	[sflag:s4] =	ssyncset.s32 $0xFFFFF086  }
0x25: {  	[simem:s6], [sflag:s4] =	dma.local [hbm:s3], $0xF7A  }
0x26: {  	[smem:$0x3F9F] =	sst s1;
	(tag) =	ssettag s2;
	_ =	strace s9  }
0x27: {  	s1 =	sld [smem:$0x3FAF]  }
0x28: {  	s2 =	sld [smem:$0x3FB0]  }
0x29: {  	s4 =	sld [smem:$0x3FB2]  }
0x2a: {  	p0 =	seq.s32 s5, $0x0;
	s5 =	sld [smem:$0x3FB3]  }
0x2b: {  	s6 =	sld [smem:$0x3FB4]  }
0x2c: {  	s7 =	sld [smem:$0x3FB5]  }
0x2d: {  	s3 =	simm.s32 $0x108;
	s8 =	sld [smem:$0x3FB6]  }
0x2e: {  	s3 =	simm.s32 @!p0 $0x1082;
	s9 =	sld [smem:$0x3FB7]  }
0x2f: {  	lr =	sadd.s32 s0, s3;
	s0 =	sld [smem:$0x3FAE]  }
0x30: {  	s3 =	sld [smem:$0x3FB1]  }
0x31: {  	[smem:$0x3FBA] =	sst s10  }
0x32: {  	s10 =	sld [smem:$0x3FB8];
	_ =	sdelay $0x3  }
0x33: {  	p0 =	seq.s32 s10, $0x1;
	s10 =	sld [smem:$0x3FBA];
	_ =	sdelay $0x3  }
0x34: {  	[smem:$0x3FBA] =	sst s10  }
0x35: {  	s10 =	sld [smem:$0x3FB9];
	_ =	sdelay $0x3  }
0x36: {  	p1 =	seq.s32 s10, $0x1;
	s10 =	sld [smem:$0x3FBA];
	_ =	sdelay $0x3  }
0x37: {  	[smem:$0x3FBA] =	sst s10  }
0x38: {  	s10 =	sld [smem:$0x3FBB]  }
0x39: {  	_ = 	snop;
	(pc) =	sbr.ind lr, $3  }
0x3a: {  	_ = 	snop  }
0x3b: {  	_ = 	snop  }
0x3c: {  	p2 =	seq.s32 s10, $0x1;
	s10 =	sld [smem:$0x3FBA]  }
0x3d: {  	_ =	shalt  }
0x3e: {  	_ =	shalt  }
0x3f: {  	_ =	shalt  }
0x40: {  	_ =	shalt  }
0x41: {  	_ =	shalt  }
0x42: {  	_ =	shalt  }
0x43: {  	_ =	shalt  }
0x44: {  	_ =	shalt  }
0x45: {  	_ =	shalt  }
0x46: {  	_ =	shalt  }
0x47: {  	_ =	shalt  }
0x48: {  	_ =	shalt  }
0x49: {  	_ =	shalt  }
0x4a: {  	_ =	shalt  }
0x4b: {  	_ =	shalt  }
0x4c: {  	_ =	shalt  }
0x4d: {  	_ =	shalt  }
0x4e: {  	_ =	shalt  }
0x4f: {  	_ =	shalt  }
0x50: {  	_ =	shalt  }
0x51: {  	_ =	shalt  }
0x52: {  	_ =	shalt  }
0x53: {  	_ =	shalt  }
0x54: {  	_ =	shalt  }
0x55: {  	_ =	shalt  }
0x56: {  	_ =	shalt  }
0x57: {  	_ =	shalt  }
0x58: {  	_ =	shalt  }
0x59: {  	_ =	shalt  }
0x5a: {  	_ =	shalt  }
0x5b: {  	_ =	shalt  }
0x5c: {  	_ =	shalt  }
0x5d: {  	_ =	shalt  }
0x5e: {  	_ =	shalt  }
0x5f: {  	_ =	shalt  }
0x60: {  	_ =	shalt  }
0x61: {  	_ =	shalt  }
0x62: {  	_ =	shalt  }
0x63: {  	_ =	shalt  }
0x64: {  	_ =	shalt  }
0x65: {  	_ =	shalt  }
0x66: {  	_ =	shalt  }
0x67: {  	_ =	shalt  }
0x68: {  	_ =	shalt  }
0x69: {  	_ =	shalt  }
0x6a: {  	_ =	shalt  }
0x6b: {  	_ =	shalt  }
0x6c: {  	_ =	shalt  }
0x6d: {  	_ =	shalt  }
0x6e: {  	_ =	shalt  }
0x6f: {  	_ =	shalt  }
0x70: {  	_ =	shalt  }
0x71: {  	_ =	shalt  }
0x72: {  	_ =	shalt  }
0x73: {  	_ =	shalt  }
0x74: {  	_ =	shalt  }
0x75: {  	_ =	shalt  }
0x76: {  	_ =	shalt  }
0x77: {  	_ =	shalt  }
0x78: {  	_ =	shalt  }
0x79: {  	_ =	shalt  }
0x7a: {  	_ =	shalt  }
0x7b: {  	_ =	shalt  }
0x7c: {  	_ =	shalt  }
0x7d: {  	_ =	shalt  }
0x7e: {  	_ =	shalt  }
0x7f: {  	_ =	shalt  }
0x80: {  	_ =	shalt  }
0x81: {  	_ =	shalt  }
0x82: {  	_ =	shalt  }
0x83: {  	_ =	shalt  }
0x84: {  	_ =	shalt  }
0x85: {  	_ =	shalt  }
0x86: {  	_ =	shalt  }
0x87: {  	_ =	shalt  }
.Lfunc_end0:
.L_simem_size_0:
called_computation_lowered:
.L_overlay_start_0:
0x88: {  	s2 =	sld [smem:$0x3FD9]  }
0x89: {  	s3 =	sld [smem:$0x3FFE];
	_ =	sdelay $0x1  }
0x8a: {  	s1 =	srdreg.scid  }
0x8b: {  	s0 =	sand.u32 $0x1, s1  }
0x8c: {  	s14 =	sshll.u32 s0, $0xA;
	s2 =	sadd.s32 s3, s2  }
0x8d: {  	s2 =	sadd.s32 s2, s14  }
0x8e: {  	[smem:$0x3FC6] =	sst s2  }
0x8f: {  	_ = 	snop  }
0x90: {  	s2 =	sld [smem:$0x3FD0];
	_ =	sdelay $0x1  }
0x91: {  	s15 =	sld [smem:$0x3FC9]  }
0x92: {  	s5 =	simm.s32 $0xA;
	s6 =	simm.s32 $0x10;
	s4 =	sld [smem:$0x3FC8]  }
0x93: {  	[smem:s6], [sflag:s5] =	dma.local [hbm:s2], $0x1  }
0x94: {  	_ =	swait.eq [sflag:s5], $0x1  }
0x95: {  	[sflag:s5] =	ssyncset.done $0x0  }
0x96: {  	[sflag:s5] =	ssyncadd.s32 $0xFFFFFFFF  }
0x97: {  	s16 =	sld [smem:$0x10];
	(tm) =	ssettm $0x1  }
0x98: {  	s17 =	sld [smem:$0x3FFB];
	_ =	sdelay $0x3  }
0x99: {  	_ =	strace s17  }
0x9a: {  	s5 =	sld [smem:$0x3FFC];
	_ =	sdelay $0x3  }
0x9b: {  	_ =	strace s5  }
0x9c: {  	s5 =	sld [smem:$0x3FFD];
	_ =	sdelay $0x3  }
0x9d: {  	_ =	strace s5  }
0x9e: {  	_ =	strace $0x8FFFFFFF  }
0x9f: {  	s18 =	sld [smem:$0x3FDB];
	_ =	sdelay $0x1  }
0xa0: {  	s19 =	simm.s32 $_scs_section_size  }
0xa1: {  	s7 =	simm.s32 $_size__tile_overlayer_lowered;
	s8 =	simm.s32 $_tile_overlayer_lowered  }
0xa2: {  	s22 =	simm.s32 $0x1BFF;
	s21 =	sshll.u32 s8, $0x1;
	s5 =	sadd.s32 s19, s18  }
0xa3: {  	s9 =	simm.s32 $0x0;
	s20 =	sshll.u32 s7, $0x1;
	s7 =	sadd.s32 s21, s5  }
0xa4: {  	[timem:s9], [sflag:s22] =	dma.local [hbm:s7], s20  }
0xa5: {  	_ =	swait.ge [sflag:s22], s20  }
0xa6: {  	s6 =	ssub.s32 $0x0, s20;
	[sflag:s22] =	ssyncset.done $0x0  }
0xa7: {  	[sflag:s22] =	ssyncadd.s32 s6;
	_ =	sdelay $0x1  }
0xa8: {  	s23 =	simm.s32 $0x1B8B  }
0xa9: {  	_ =	swait.ge [sflag:s23], $0x1  }
0xaa: {  	[sflag:s23] =	ssyncset.done $0x0  }
0xab: {  	s25 =	simm.s32 $0x1B8E;
	s24 =	sld [smem:$0x3FFE];
	[sflag:s23] =	ssyncadd.s32 $0xFFFFFFFF  }
0xac: {  	s26 =	simm.s32 $execute0_lowered;
	[smem:$0x3FD2] =	sst s25  }
0xad: {  	s7 =	sshll.u32 s26, $0x1;
	_ =	strace $0x80000046;
	[dreg:$0x1] =	wrdreg $0xFFFFFFFF  }
0xae: {  	s28 =	simm.s32 $_size_execute0_lowered;
	s5 =	sadd.s32 s5, s7;
	[dreg:$0x0] =	wrdreg $0x0  }
0xaf: {  	s7 =	sshll.u32 s28, $0x1;
	[dreg:$0x2] =	wrdreg s5  }
0xb0: {  	[dreg:$0x3] =	wrdreg s7  }
0xb1: {  	[dreg:$0x4] =	wrdreg $0xC0  }
0xb2: {  	_ =	task [dreg:s9], $0x5FFFF  }
0xb3: {  	[dreg:$0x1] =	wrdreg $0xFFFFFFFF  }
0xb4: {  	[dreg:$0x0] =	wrdreg $0x60  }
0xb5: {  	[dreg:$0x2] =	wrdreg s15  }
0xb6: {  	[dreg:$0x3] =	wrdreg s4  }
0xb7: {  	[dreg:$0x4] =	wrdreg s16  }
0xb8: {  	[dreg:$0x5] =	wrdreg s24  }
0xb9: {  	[dreg:$0x6] =	wrdreg $0x9  }
0xba: {  	_ =	task.clear_ibuf [dreg:s9], $0x7FFFF;
	_ =	strace $0x90000046  }
0xbb: {  	s29 =	simm.s32 $0x9;
	_ =	strace $0x80000048  }
0xbc: {  	_ =	swait.ge [sflag:s29], $0x1  }
0xbd: {  	[sflag:s29] =	ssyncadd.s32 $0xFFFFFFFF  }
0xbe: {  	_ =	strace $0x90000048  }
0xbf: {  	_ =	sfence  }
0xc0: {  	s30 =	sld [smem:$0x0];
	_ =	sdelay $0x2  }
0xc1: {  	s31 =	sshll.u32 s1, $0xD;
	s1 =	sshrl.u32 s1, $0x2  }
0xc2: {  	s3 =	sand.u32 $0x4000, s31;
	s1 =	sadd.s32 s1, s30  }
0xc3: {  	s0 =	sor.u32 s3, s0;
	s1 =	sshll.u32 s1, $0x11  }
0xc4: {  	s0 =	sor.u32 s1, s0  }
0xc5: {  	s0 =	sadd.s32 $0x8F2B, s0  }
0xc6: {  	[sflag:s0] =	ssyncadd.remote.s32 $0x1  }
0xc7: {  	_ =	sfence.sel $0xFFFF  }
0xc8: {  	[dreg:$0x0] =	wrdreg $0xFFFFFFFF;
	(pc) =	sbr.abs _section_cstart, $3  }
0xc9: {  	[dreg:$0x1] =	wrdreg $0xFFFFFFFF  }
0xca: {  	_ =	task.clear_ibuf [dreg:s9], $0x2FFFF;
	_ =	strace $0x9FFFFFFF  }
0xcb: {  	(tm) =	ssettm $0x7FFFFFFF  }
tec
execute0_lowered:
.L_overlay_start_1:
0x0: {  	(tag) =	ssettag $0x1  }
0x1: {  	s1 =	rddreg [dreg:$0x0]  }
0x2: {  	s2 =	rddreg [dreg:$0x1]  }
0x3: {  	s4 =	rddreg [dreg:$0x2]  }
0x4: {  	s0 =	rddreg [dreg:$0x3]  }
0x5: {  	s3 =	srdreg.scid;
	s10 =	stileid.u32;
	s5 =	simm.s32 $0x0  }
0x6: {  	s17 =	simm.s32 $0x4000;
	s18 =	simm.s32 $0xC000;
	s19 =	simm.s32 $0x1  }
0x7: {  	s20 =	simm.s32 $0x18000;
	s21 =	simm.s32 $0x18080;
	s22 =	simm.s32 $0x10000  }
0x8: {  	s23 =	simm.s32 $0x2;
	s24 =	simm.s32 $0x14000;
	s25 =	simm.s32 $0x3  }
0x9: {  	s26 =	simm.s32 $0x4;
	s28 =	simm.s32 $0x5;
	s29 =	simm.s32 $0x0  }
0xa: {  	s3 =	sand.u32 $0x1, s3;
	s6 =	sshll.u32 s10, $0x1;
	[smem:$0x7FF] =	sst s5  }
0xb: {  	s10 =	sshll.u32 s10, $0x6;
	s7 =	ssub.s32 $0x2, s3;
	s3 =	sor.u32 s3, s6  }
0xc: {  	_ =	strace $0x80000047;
	s12 =	sand.u32 $0x300, s10;
	s31 =	sshrl.u32 s7, $0x1  }
0xd: {  	s9 =	sshll.u32 s3, $0xF;
	s6 =	sshll.u32 s3, $0x12;
	s3 =	sshll.u32 s3, $0x4  }
.Ltmp0:
0xe: {  	s7 =	ssub.s32 s7, s31;
	s8 =	sadd.s32 s1, s9;
	(pc) =	sbr.rel .LBB2_1-.Ltmp0, $4  }
0xf: {  	s11 =	sor.u32 $0x800, s9;
	s3 =	sand.u32 $0x70, s3;
	[dreg:$0x5] =	wrdreg s8  }
0x10: {  	s8 =	sadd.s32 s2, s9;
	s9 =	sadd.s32 s1, s11;
	s3 =	sor.u32 s12, s3  }
0x11: {  	s10 =	sadd.s32 s2, s11;
	s11 =	sor.u32 $0x8000, s6;
	s13 =	sadd.s32 s0, s3  }
0x12: {  	v0 =	vimm.f32 $0.0e+00;
	s12 =	sor.u32 $0xC000, s6;
	s15 =	smax.u32 s7, $0x1;
	s14 =	sadd.s32 $0x80, s13  }
.LBB2_8:
0x13: {  	_ =	swait.ge [sflag:s25], $0x4000  }
0x14: {  	[sflag:s25] =	ssyncset.done $0x0  }
0x15: {  	[sflag:s25] =	ssyncadd.s32 $0xFFFFC000  }
0x16: {  	_ =	swait.ge [sflag:s26], $0x4000  }
0x17: {  	[sflag:s26] =	ssyncset.done $0x0  }
0x18: {  	[sflag:s26] =	ssyncadd.s32 $0xFFFFC000  }
0x19: {  	[hbm4b:s13+s5] =	stream.linear.scatter [tilespmem:s20], [sflag:$0x5], $0x80, $0x38;
	[tilespmem:$0x18100] =	vst v63  }
0x1a: {  	s29 =	sadd.s32 $0x1, s29;
	_ =	swait.ge [sflag:s28], $0x80  }
0x1b: {  	p0 =	sne.s32 s29, s15;
	[sflag:s28] =	ssyncset.done $0x0  }
.Ltmp1:
0x1c: {  	[sflag:s28] =	ssyncadd.s32 $0xFFFFFF80;
	(pc) =	sbr.rel @!p0 .LBB2_9-.Ltmp1, $4  }
0x1d: {  	[hbm4b:s14+s5] =	stream.linear.scatter [tilespmem:s21], [sflag:$0x5], $0x80, $0x38;
	[tilespmem:$0x18100] =	vst v63  }
0x1e: {  	_ =	swait.ge [sflag:s28], $0x80  }
0x1f: {  	[sflag:s28] =	ssyncset.done $0x0  }
0x20: {  	[sflag:s28] =	ssyncadd.s32 $0xFFFFFF80  }
.LBB2_1:
0x21: {  	[tilespmem:$0x18000] =	vst v0  }
0x22: {  	[tilespmem:$0x18080] =	vst v0  }
0x23: {  	[tilespmem:$0x18010] =	vst v0  }
0x24: {  	[tilespmem:$0x18090] =	vst v0  }
0x25: {  	[tilespmem:$0x18020] =	vst v0  }
0x26: {  	[tilespmem:$0x180A0] =	vst v0  }
0x27: {  	[tilespmem:$0x18030] =	vst v0  }
0x28: {  	[tilespmem:$0x180B0] =	vst v0  }
0x29: {  	[tilespmem:$0x18040] =	vst v0  }
0x2a: {  	[tilespmem:$0x180C0] =	vst v0  }
0x2b: {  	[tilespmem:$0x18050] =	vst v0  }
0x2c: {  	[tilespmem:$0x180D0] =	vst v0  }
0x2d: {  	[tilespmem:$0x18060] =	vst v0  }
0x2e: {  	[tilespmem:$0x180E0] =	vst v0  }
0x2f: {  	[tilespmem:$0x18070] =	vst v0  }
0x30: {  	[tilespmem:$0x180F0] =	vst v0;
	s0 =	rddreg [dreg:$0x5]  }
0x31: {  	[tilespmem:s5], [sflag:$0x1] =	stream.linear.gather [hbm4b:s0+s5], $0x4000, $0x38;
	[tilespmem:$0x18100] =	vst v63  }
0x32: {  	s31 =	simm.s32 $0x8000  }
0x33: {  	[tilespmem:s31], [sflag:$0x1] =	stream.linear.gather [hbm4b:s8+s5], $0x4000, $0x38;
	[tilespmem:$0x18100] =	vst v63  }
0x34: {  	_ = 	snop  }
0x35: {  	[tilespmem:s17], [sflag:$0x2] =	stream.linear.gather [hbm4b:s9+s5], $0x4000, $0x38;
	[tilespmem:$0x18100] =	vst v63  }
0x36: {  	s30 =	simm.s32 $0x0  }
0x37: {  	[tilespmem:s18], [sflag:$0x2] =	stream.linear.gather [hbm4b:s10+s5], $0x4000, $0x38;
	[tilespmem:$0x18100] =	vst v63  }
.LBB2_2:
0x38: {  	_ =	swait.ge [sflag:s19], $0x4000  }
0x39: {  	[sflag:s19] =	ssyncset.done $0x0  }
0x3a: {  	[sflag:s19] =	ssyncadd.s32 $0xFFFFC000  }
0x3b: {  	_ =	swait.ge [sflag:s19], $0x4000  }
0x3c: {  	p0 =	seq.s32 s30, $0x0;
	[sflag:s19] =	ssyncset.done $0x0  }
0x3d: {  	s0 =	simm.s32 @!p0 $0x3;
	[sflag:s19] =	ssyncadd.s32 $0xFFFFC000  }
0x3e: {  	_ =	swait.ge @!p0 [sflag:s0], $0x4000  }
0x3f: {  	[sflag:s0] =	ssyncset.done @!p0 $0x0  }
0x40: {  	[sflag:s0] =	ssyncadd.s32 @!p0 $0xFFFFC000;
	s0 =	simm.s32 $0x0  }
0x41: {  	v2 =	vld [tilespmem:s0+$0x60]  }
0x42: {  	v4 =	vld [tilespmem:s0+$0x8060]  }
0x43: {  	v1 =	vld [tilespmem:s0+$0x70]  }
0x44: {  	v3 =	vld [tilespmem:s0+$0x8070]  }
0x45: {  	v10 =	vld [tilespmem:s0+$0x40]  }
0x46: {  	v11 =	vld [tilespmem:s0+$0x8040]  }
0x47: {  	v7 =	vld [tilespmem:s0+$0x50]  }
0x48: {  	v9 =	vld [tilespmem:s0+$0x8050]  }
0x49: {  	v5 =	vld [tilespmem:s0+$0x20]  }
0x4a: {  	v8 =	vld [tilespmem:s0+$0x8020]  }
0x4b: {  	v6 =	vld [tilespmem:s0+$0x30]  }
0x4c: {  	v12 =	vld [tilespmem:s0+$0x0]  }
0x4d: {  	v13 =	vld [tilespmem:s0+$0x8000]  }
0x4e: {  	v14 =	vld [tilespmem:s0+$0x10]  }
0x4f: {  	s31 =	sshll.u32 s30, $0xF;
	s3 =	simm.s32 $0x200;
	v15 =	vld [tilespmem:s0+$0x8010]  }
.LBB2_3:
0x50: {  	s16 =	sshra.s32 s3, $0x2;
	p1 =	sne.s32 s3, $0xFE00;
	v16 =	vld [tilespmem:s0+$0x8030]  }
0x51: {  	v18 =	vadd.f32 v4, v2;
	v17 =	vld [tilespmem:s16+$0x60]  }
0x52: {  	v20 =	vadd.f32 v11, v10;
	v21 =	vadd.f32 v3, v1;
	v19 =	vld [tilespmem:s16+$0x8060]  }
0x53: {  	v23 =	vadd.f32 v8, v5;
	v24 =	vadd.f32 v9, v7;
	v22 =	vld [tilespmem:s16+$0x70]  }
0x54: {  	v26 =	vadd.f32 v13, v12;
	v27 =	vadd.f32 v15, v14;
	v25 =	vld [tilespmem:s16+$0x8070]  }
0x55: {  	v12 =	vmul.f32 v13, v12;
	v13 =	vmul.f32 v15, v14;
	v28 =	vld [tilespmem:s16+$0x40];
	v14 =	vadd.f32 v16, v6  }
0x56: {  	v8 =	vmul.f32 v8, v5;
	v29 =	vadd.f32 $0.0e+00, v26;
	v30 =	vadd.f32 $0.0e+00, v27;
	v15 =	vld [tilespmem:s16+$0x8040]  }
0x57: {  	v12 =	vadd.f32 $0.0e+00, v12;
	v13 =	vadd.f32 $0.0e+00, v13;
	v6 =	vmul.f32 v16, v6;
	v31 =	vld [tilespmem:s16+$0x50]  }
0x58: {  	v10 =	vmul.f32 v11, v10;
	v16 =	vld [tilespmem:s16+$0x8050];
	[tilespmem:s0+$0x10000] =	vst v26;
	v26 =	vadd.f32 v23, v29;
	v29 =	vadd.f32 v14, v30  }
0x59: {  	v7 =	vmul.f32 v9, v7;
	v11 =	vadd.f32 v8, v12;
	v12 =	vadd.f32 v6, v13;
	v5 =	vld [tilespmem:s16+$0x20];
	[tilespmem:s0+$0x10010] =	vst v27  }
0x5a: {  	v8 =	vld [tilespmem:s16+$0x8020];
	[tilespmem:s0+$0x10020] =	vst v23;
	v9 =	vadd.f32 v20, v26;
	v13 =	vadd.f32 v24, v29;
	v23 =	vmul.f32 v4, v2  }
0x5b: {  	v30 =	vmul.f32 v3, v1;
	v27 =	vadd.f32 v7, v12;
	v26 =	vadd.f32 v10, v11;
	v6 =	vld [tilespmem:s16+$0x30];
	[tilespmem:s0+$0x10030] =	vst v14  }
0x5c: {  	v2 =	vmovc v17;
	v4 =	vmov v19;
	v12 =	vld [tilespmem:s16+$0x0];
	[tilespmem:s0+$0x10040] =	vst v20;
	v29 =	vadd.f32 v18, v9;
	v20 =	vadd.f32 v21, v13  }
.Ltmp2:
0x5d: {  	v1 =	vmovc v22;
	v3 =	vmov v25;
	v19 =	vadd.f32 v30, v27;
	v17 =	vadd.f32 v23, v26;
	v13 =	vld [tilespmem:s16+$0x8000];
	[tilespmem:s0+$0x10050] =	vst v24;
	(pc) =	sbr.rel @p1 .LBB2_3-.Ltmp2, $4  }
0x5e: {  	v10 =	vmovc v28;
	v11 =	vmovc v15;
	v7 =	vmov v31;
	v14 =	vld [tilespmem:s16+$0x10];
	[tilespmem:s0+$0x10060] =	vst v18;
	v18 =	vadd.f32 v20, v29;
	v9 =	vmov v16  }
0x5f: {  	v16 =	vadd.f32 v19, v17;
	v15 =	vld [tilespmem:s16+$0x8010];
	[tilespmem:s0+$0x10070] =	vst v21;
	s0 =	smov.u32 s16  }
0x60: {  	[tilespmem:s20+$0x0] =	vst.add.f32.msk $0xffff, v18  }
0x61: {  	s3 =	sadd.s32 $0x200, s3;
	[tilespmem:s21+$0x0] =	vst.add.f32.msk $0xffff, v16  }
0x62: {  	v16 =	vld [tilespmem:s0+$0x8030];
	v17 =	vadd.f32 v4, v2  }
0x63: {  	v18 =	vadd.f32 v11, v10;
	v19 =	vadd.f32 v3, v1  }
0x64: {  	v20 =	vadd.f32 v8, v5;
	v22 =	vadd.f32 v13, v12  }
0x65: {  	v21 =	vadd.f32 v9, v7;
	v23 =	vadd.f32 v15, v14  }
0x66: {  	v12 =	vmul.f32 v13, v12;
	v13 =	vmul.f32 v15, v14;
	v15 =	vadd.f32 $0.0e+00, v22  }
0x67: {  	v5 =	vmul.f32 v8, v5;
	v24 =	vadd.f32 $0.0e+00, v23;
	v14 =	vadd.f32 v16, v6  }
0x68: {  	v8 =	vadd.f32 $0.0e+00, v12;
	v12 =	vadd.f32 $0.0e+00, v13;
	v6 =	vmul.f32 v16, v6  }
0x69: {  	v10 =	vmul.f32 v11, v10;
	[tilespmem:s0+$0x10000] =	vst v22;
	v13 =	vadd.f32 v20, v15;
	v15 =	vadd.f32 v14, v24  }
0x6a: {  	v7 =	vmul.f32 v9, v7;
	[tilespmem:s0+$0x10020] =	vst v20;
	v5 =	vadd.f32 v5, v8;
	v6 =	vadd.f32 v6, v12  }
0x6b: {  	v2 =	vmul.f32 v4, v2;
	[tilespmem:s0+$0x10040] =	vst v18;
	v8 =	vadd.f32 v18, v13;
	v9 =	vadd.f32 v21, v15  }
0x6c: {  	v1 =	vmul.f32 v3, v1;
	[tilespmem:s0+$0x10050] =	vst v21;
	v4 =	vadd.f32 v10, v5;
	v5 =	vadd.f32 v7, v6  }
0x6d: {  	[tilespmem:s0+$0x10060] =	vst v17;
	v3 =	vadd.f32 v17, v8;
	v6 =	vadd.f32 v19, v9  }
0x6e: {  	[tilespmem:s0+$0x10070] =	vst v19;
	v2 =	vadd.f32 v2, v4;
	v1 =	vadd.f32 v1, v5  }
0x6f: {  	[tilespmem:s0+$0x10010] =	vst v23;
	v3 =	vadd.f32 v6, v3  }
0x70: {  	s16 =	sor.u32 s6, s31;
	[tilespmem:s0+$0x10030] =	vst v14;
	v1 =	vadd.f32 v1, v2  }
0x71: {  	s0 =	sshrl.u32 s16, $0x3;
	[tilespmem:s20+$0x0] =	vst.add.f32.msk $0xffff, v3  }
0x72: {  	p1 =	seq.s32 s30, $0x7;
	s3 =	sadd.s32 s4, s0;
	[tilespmem:s21+$0x0] =	vst.add.f32.msk $0xffff, v1  }
0x73: {  	[hbm4b:s3+s5] =	stream.linear.scatter [tilespmem:s22], [sflag:$0x3], $0x4000, $0x38;
	[tilespmem:$0x18100] =	vst v63  }
0x74: {  	s3 =	sadd.s32 @!p1 s31, s11  }
0x75: {  	s3 =	sshrl.u32 @!p1 s3, $0x3  }
0x76: {  	s16 =	simm.s32 @!p1 $0x0;
	s7 =	sadd.s32 @!p1 s1, s3  }
0x77: {  	[tilespmem:s16], [sflag:$0x1] =	stream.linear.gather @!p1 [hbm4b:s7+s16], $0x4000, $0x38;
	[tilespmem:$0x18100] =	vst v63  }
0x78: {  	s3 =	sadd.s32 @!p1 s2, s3;
	s7 =	simm.s32 @!p1 $0x8000  }
0x79: {  	[tilespmem:s7], [sflag:$0x1] =	stream.linear.gather @!p1 [hbm4b:s3+s16], $0x4000, $0x38;
	[tilespmem:$0x18100] =	vst v63  }
0x7a: {  	_ =	swait.ge [sflag:s23], $0x4000  }
0x7b: {  	[sflag:s23] =	ssyncset.done $0x0  }
0x7c: {  	[sflag:s23] =	ssyncadd.s32 $0xFFFFC000  }
0x7d: {  	_ =	swait.ge [sflag:s23], $0x4000  }
0x7e: {  	[sflag:s23] =	ssyncset.done $0x0  }
0x7f: {  	s3 =	simm.s32 @!p0 $0x4;
	[sflag:s23] =	ssyncadd.s32 $0xFFFFC000  }
0x80: {  	_ =	swait.ge @!p0 [sflag:s3], $0x4000  }
0x81: {  	[sflag:s3] =	ssyncset.done @!p0 $0x0  }
0x82: {  	[sflag:s3] =	ssyncadd.s32 @!p0 $0xFFFFC000;
	s3 =	simm.s32 $0x0  }
0x83: {  	v2 =	vld [tilespmem:s3+$0x4060]  }
0x84: {  	v4 =	vld [tilespmem:s3+$0xC060]  }
0x85: {  	v1 =	vld [tilespmem:s3+$0x4070]  }
0x86: {  	v3 =	vld [tilespmem:s3+$0xC070]  }
0x87: {  	v10 =	vld [tilespmem:s3+$0x4040]  }
0x88: {  	v11 =	vld [tilespmem:s3+$0xC040]  }
0x89: {  	v7 =	vld [tilespmem:s3+$0x4050]  }
0x8a: {  	v9 =	vld [tilespmem:s3+$0xC050]  }
0x8b: {  	v5 =	vld [tilespmem:s3+$0x4020]  }
0x8c: {  	v8 =	vld [tilespmem:s3+$0xC020]  }
0x8d: {  	v6 =	vld [tilespmem:s3+$0x4030]  }
0x8e: {  	v12 =	vld [tilespmem:s3+$0x4000]  }
0x8f: {  	v13 =	vld [tilespmem:s3+$0xC000]  }
0x90: {  	v14 =	vld [tilespmem:s3+$0x4010]  }
0x91: {  	s16 =	simm.s32 $0x200;
	v15 =	vld [tilespmem:s3+$0xC010]  }
.LBB2_5:
0x92: {  	s7 =	sshra.s32 s16, $0x2;
	p0 =	sne.s32 s16, $0xFE00;
	v16 =	vld [tilespmem:s3+$0xC030]  }
0x93: {  	v18 =	vadd.f32 v4, v2;
	v17 =	vld [tilespmem:s7+$0x4060]  }
0x94: {  	v20 =	vadd.f32 v11, v10;
	v21 =	vadd.f32 v3, v1;
	v19 =	vld [tilespmem:s7+$0xC060]  }
0x95: {  	v23 =	vadd.f32 v8, v5;
	v24 =	vadd.f32 v9, v7;
	v22 =	vld [tilespmem:s7+$0x4070]  }
0x96: {  	v26 =	vadd.f32 v13, v12;
	v27 =	vadd.f32 v15, v14;
	v25 =	vld [tilespmem:s7+$0xC070]  }
0x97: {  	v12 =	vmul.f32 v13, v12;
	v13 =	vmul.f32 v15, v14;
	v28 =	vld [tilespmem:s7+$0x4040];
	v14 =	vadd.f32 v16, v6  }
0x98: {  	v8 =	vmul.f32 v8, v5;
	v29 =	vadd.f32 $0.0e+00, v26;
	v30 =	vadd.f32 $0.0e+00, v27;
	v15 =	vld [tilespmem:s7+$0xC040]  }
0x99: {  	v12 =	vadd.f32 $0.0e+00, v12;
	v13 =	vadd.f32 $0.0e+00, v13;
	v6 =	vmul.f32 v16, v6;
	v31 =	vld [tilespmem:s7+$0x4050]  }
0x9a: {  	v10 =	vmul.f32 v11, v10;
	v16 =	vld [tilespmem:s7+$0xC050];
	[tilespmem:s3+$0x14000] =	vst v26;
	v26 =	vadd.f32 v23, v29;
	v29 =	vadd.f32 v14, v30  }
0x9b: {  	v7 =	vmul.f32 v9, v7;
	v11 =	vadd.f32 v8, v12;
	v12 =	vadd.f32 v6, v13;
	v5 =	vld [tilespmem:s7+$0x4020];
	[tilespmem:s3+$0x14010] =	vst v27  }
0x9c: {  	v8 =	vld [tilespmem:s7+$0xC020];
	[tilespmem:s3+$0x14020] =	vst v23;
	v9 =	vadd.f32 v20, v26;
	v13 =	vadd.f32 v24, v29;
	v23 =	vmul.f32 v4, v2  }
0x9d: {  	v30 =	vmul.f32 v3, v1;
	v27 =	vadd.f32 v7, v12;
	v26 =	vadd.f32 v10, v11;
	v6 =	vld [tilespmem:s7+$0x4030];
	[tilespmem:s3+$0x14030] =	vst v14  }
0x9e: {  	v2 =	vmovc v17;
	v4 =	vmov v19;
	v12 =	vld [tilespmem:s7+$0x4000];
	[tilespmem:s3+$0x14040] =	vst v20;
	v29 =	vadd.f32 v18, v9;
	v20 =	vadd.f32 v21, v13  }
.Ltmp3:
0x9f: {  	v1 =	vmovc v22;
	v3 =	vmov v25;
	v19 =	vadd.f32 v30, v27;
	v17 =	vadd.f32 v23, v26;
	v13 =	vld [tilespmem:s7+$0xC000];
	[tilespmem:s3+$0x14050] =	vst v24;
	(pc) =	sbr.rel @p0 .LBB2_5-.Ltmp3, $4  }
0xa0: {  	v10 =	vmovc v28;
	v11 =	vmovc v15;
	v7 =	vmov v31;
	v14 =	vld [tilespmem:s7+$0x4010];
	[tilespmem:s3+$0x14060] =	vst v18;
	v18 =	vadd.f32 v20, v29;
	v9 =	vmov v16  }
0xa1: {  	v16 =	vadd.f32 v19, v17;
	v15 =	vld [tilespmem:s7+$0xC010];
	[tilespmem:s3+$0x14070] =	vst v21;
	s3 =	smov.u32 s7  }
0xa2: {  	[tilespmem:s20+$0x0] =	vst.add.f32.msk $0xffff, v18  }
0xa3: {  	s16 =	sadd.s32 $0x200, s16;
	[tilespmem:s21+$0x0] =	vst.add.f32.msk $0xffff, v16  }
0xa4: {  	v16 =	vld [tilespmem:s3+$0xC030];
	v17 =	vadd.f32 v4, v2  }
0xa5: {  	v18 =	vadd.f32 v11, v10;
	v19 =	vadd.f32 v3, v1  }
0xa6: {  	v20 =	vadd.f32 v8, v5;
	v22 =	vadd.f32 v13, v12  }
0xa7: {  	v21 =	vadd.f32 v9, v7;
	v23 =	vadd.f32 v15, v14  }
0xa8: {  	v47 =	vmul.f32 v13, v12;
	v48 =	vmul.f32 v15, v14;
	v50 =	vadd.f32 $0.0e+00, v22  }
0xa9: {  	v51 =	vmul.f32 v8, v5;
	v24 =	vadd.f32 $0.0e+00, v23;
	v49 =	vadd.f32 v16, v6  }
0xaa: {  	v52 =	vadd.f32 $0.0e+00, v47;
	v53 =	vadd.f32 $0.0e+00, v48;
	v54 =	vmul.f32 v16, v6  }
0xab: {  	v57 =	vmul.f32 v11, v10;
	[tilespmem:s3+$0x14000] =	vst v22;
	v55 =	vadd.f32 v20, v50;
	v56 =	vadd.f32 v49, v24  }
0xac: {  	v58 =	vmul.f32 v9, v7;
	[tilespmem:s3+$0x14020] =	vst v20;
	v5 =	vadd.f32 v51, v52;
	v6 =	vadd.f32 v54, v53  }
0xad: {  	v2 =	vmul.f32 v4, v2;
	[tilespmem:s3+$0x14040] =	vst v18;
	v59 =	vadd.f32 v18, v55;
	v60 =	vadd.f32 v21, v56  }
0xae: {  	v1 =	vmul.f32 v3, v1;
	[tilespmem:s3+$0x14050] =	vst v21;
	v61 =	vadd.f32 v57, v5;
	v62 =	vadd.f32 v58, v6  }
0xaf: {  	[tilespmem:s3+$0x14060] =	vst v17;
	v3 =	vadd.f32 v17, v59;
	v63 =	vadd.f32 v19, v60  }
0xb0: {  	[tilespmem:s3+$0x14070] =	vst v19;
	v2 =	vadd.f32 v2, v61;
	v1 =	vadd.f32 v1, v62  }
.Ltmp4:
0xb1: {  	[tilespmem:s3+$0x14010] =	vst v23;
	v3 =	vadd.f32 v63, v3;
	(pc) =	sbr.rel @p1 .LBB2_8-.Ltmp4, $4  }
0xb2: {  	[tilespmem:s3+$0x14030] =	vst v49;
	v1 =	vadd.f32 v1, v2  }
0xb3: {  	s0 =	sadd.s32 s0, s4;
	[tilespmem:s20+$0x0] =	vst.add.f32.msk $0xffff, v3  }
0xb4: {  	s0 =	sadd.s32 $0x800, s0;
	[tilespmem:s21+$0x0] =	vst.add.f32.msk $0xffff, v1  }
0xb5: {  	[hbm4b:s0+s5] =	stream.linear.scatter [tilespmem:s24], [sflag:$0x4], $0x4000, $0x38;
	[tilespmem:$0x18100] =	vst v63  }
0xb6: {  	s0 =	sadd.s32 s31, s12  }
.Ltmp5:
0xb7: {  	s0 =	sshrl.u32 s0, $0x3;
	(pc) =	sbr.rel .LBB2_2-.Ltmp5, $4  }
0xb8: {  	s3 =	sadd.s32 s1, s0  }
0xb9: {  	[tilespmem:s17], [sflag:$0x2] =	stream.linear.gather [hbm4b:s3+s5], $0x4000, $0x38;
	[tilespmem:$0x18100] =	vst v63  }
0xba: {  	s30 =	sadd.s32 $0x1, s30;
	s0 =	sadd.s32 s2, s0  }
0xbb: {  	[tilespmem:s18], [sflag:$0x2] =	stream.linear.gather [hbm4b:s0+s5], $0x4000, $0x38;
	[tilespmem:$0x18100] =	vst v63  }
.LBB2_9:
0xbc: {  	_ =	sfence.sel $0x180000  }
0xbd: {  	[bflag:$0x0] =	sbarrier.arrive $0xFFFF  }
0xbe: {  	_ =	strace $0x90000047  }
0xbf: {  	s0 =	stileid.u32;
	[bflag:$0x2] =	sbarrier.arrive $0xFFFF  }
0xc0: {  	p0 =	sne.s32 s0, $0x0;
	s0 =	rddreg [dreg:$0x4]  }
0xc1: {  	s0 =	sadd.s32 @!p0 $0x100000, s0  }
0xc2: {  	[sflag:s0] =	ssyncadd.tile.s32 @!p0 $0x1;
	_ =	shalt  }
.Lfunc_end2:
_tile_overlayer_lowered:
.L_overlay_start_2:
0xc3: {  	(tag) =	ssettag $0x2  }
0xc4: {  	s0 =	rddreg [dreg:$0x0];
	s2 =	stileid.u32  }
0xc5: {  	s1 =	rddreg [dreg:$0x1];
	p0 =	sne.s32 s2, $0x0  }
0xc6: {  	s3 =	rddreg [dreg:$0x2];
	[bflag:$0x3] =	sbarrier.arrive $0xFFFF;
	s2 =	simm.s32 @!p0 $0x1C05  }
0xc7: {  	[timem:s3], [sflag:s2] =	dma.local @!p0 [hbm:s0], s1  }
0xc8: {  	s0 =	simm.s32 @!p0 $0x5  }
0xc9: {  	_ =	swait.ge @!p0 [sflag:s0], s1  }
0xca: {  	s1 =	ssub.s32 @!p0 $0x0, s1;
	[sflag:s0] =	ssyncset.done @!p0 $0x0  }
0xcb: {  	[sflag:s0] =	ssyncadd.s32 @!p0 s1  }
0xcc: {  	[bflag:$0x3] =	sbarrier.arrive $0xFFFF  }
0xcd: {  	_ =	shalt  }

</sc_bundles>
